<compile_context>
chip_gen: v7x
topology: tpu7x:2x2x1
jax: 0.10.2.dev20260603
libtpu: 0.0.44.dev20260713+nightly
codegen_flags: <defaults>
</compile_context>

<pallas_src>
from functools import partial

import jax
import jax.numpy as jnp
from jax import lax
from jax.experimental import pallas as pl
from jax.experimental.pallas import tpu as pltpu
from jax.experimental.pallas import tpu_sc as plsc

N_TEC = 16
N_SC = 2
FC = 128
EBQ = 128
F32 = jnp.float32



def _make_deg_kernel(n_pad, nb):
    wb = n_pad // N_TEC
    mesh = plsc.VectorSubcoreMesh(core_axis_name="c", subcore_axis_name="s")

    hb = nb // N_SC

    @partial(
        pl.kernel,
        out_type=jax.ShapeDtypeStruct((N_SC, n_pad, 16), F32),
        mesh=mesh,
        scratch_types=[
            pltpu.VMEM((hb, EBQ), jnp.int32),
            pltpu.VMEM((EBQ, 16), F32),
            pltpu.VMEM((EBQ, 16), F32),
            pltpu.VMEM_SHARED((n_pad, 16), F32),
        ],
    )
    def deg_kernel(dsts_hbm, deg_hbm, dst_v, ones_v, zero_v, acc):
        c = lax.axis_index("c")
        s = lax.axis_index("s")

        e0 = jnp.where(lax.iota(jnp.int32, 16) == 0,
                       jnp.float32(1.0), jnp.float32(0.0))
        z16 = jnp.zeros((16,), F32)

        def fill(i, _):
            ones_v[i] = e0
            zero_v[i] = z16
            return 0
        lax.fori_loop(0, EBQ, fill, 0)

        for t in range(wb // EBQ):
            pltpu.sync_copy(zero_v, acc.at[pl.ds(s * wb + t * EBQ, EBQ)])

        pltpu.sync_copy(dsts_hbm.at[s, pl.ds(c * hb, hb)], dst_v)

        plsc.subcore_barrier()

        def body(j, _):
            pltpu.sync_copy(ones_v, acc.at[dst_v.at[j]], add=True)
            return 0
        lax.fori_loop(0, hb, body, 0)

        plsc.subcore_barrier()

        pltpu.sync_copy(acc.at[pl.ds(s * wb, wb)],
                        deg_hbm.at[c].at[pl.ds(s * wb, wb)])

    return deg_kernel



def _make_agg_kernel(n_pad, nb, n_chunks):
    cps = n_chunks // N_SC
    mesh = plsc.VectorSubcoreMesh(core_axis_name="c", subcore_axis_name="s")
    wb = n_pad // N_TEC

    @partial(
        pl.kernel,
        out_type=jax.ShapeDtypeStruct((n_chunks, n_pad, FC), F32),
        mesh=mesh,
        scratch_types=[
            pltpu.VMEM((nb, EBQ), jnp.int32),
            pltpu.VMEM((nb, EBQ), jnp.int32),
            pltpu.VMEM((EBQ, FC), F32),
            pltpu.VMEM_SHARED((n_pad, FC), F32),
            pltpu.SemaphoreType.DMA,
        ],
    )
    def agg_kernel(h_hbm, srcs_hbm, dsts_hbm, out_hbm,
                   src_v, dst_v, rows_v, acc, sem):
        c = lax.axis_index("c")
        s = lax.axis_index("s")
        pltpu.sync_copy(srcs_hbm.at[s], src_v)
        pltpu.sync_copy(dsts_hbm.at[s], dst_v)

        for cc in range(cps):
            ch = c * cps + cc

            pltpu.sync_copy(h_hbm.at[ch].at[pl.ds(s * wb, wb)],
                            acc.at[pl.ds(s * wb, wb)])

            plsc.subcore_barrier()

            def body(j, _):
                pltpu.async_copy(h_hbm.at[ch].at[src_v.at[j]],
                                 rows_v, sem).wait()
                pltpu.sync_copy(rows_v, acc.at[dst_v.at[j]], add=True)
                return 0
            lax.fori_loop(0, nb, body, 0)

            plsc.subcore_barrier()

            pltpu.sync_copy(acc.at[pl.ds(s * wb, wb)],
                            out_hbm.at[ch].at[pl.ds(s * wb, wb)])

            if cc + 1 < cps:
                plsc.subcore_barrier()

    return agg_kernel



def _dinv_kernel(deg_ref, dinv_ref):
    d = jnp.sum(deg_ref[0] + deg_ref[1], axis=1, keepdims=True) + 1.0
    dinv_ref[...] = jnp.broadcast_to(lax.rsqrt(d), dinv_ref.shape)


def _mm1_kernel(x_ref, w_ref, dinv_ref, out_ref):
    xs = x_ref[...] * dinv_ref[...][:, 0:1]
    out_ref[0] = jnp.dot(xs, w_ref[...], preferred_element_type=F32)


def _mm2_kernel(agg_ref, w_ref, b_ref, dinv_ref, out_ref):
    d = dinv_ref[...][:, 0:1]
    t = jnp.maximum(agg_ref[0] * d + b_ref[0], 0.0) * d
    p = jnp.dot(t, w_ref[...], preferred_element_type=F32)

    @pl.when(pl.program_id(2) == 0)
    def _():
        out_ref[0] = p

    @pl.when(pl.program_id(2) != 0)
    def _():
        out_ref[0] = out_ref[0] + p


def _final_kernel(agg_ref, b_ref, dinv_ref, out_ref):
    out_ref[...] = agg_ref[0] * dinv_ref[...][:, 0:1] + b_ref[0]



def kernel(x, edge_index, W1, b1, W2, b2):
    n, f_in = x.shape
    f_mid = W1.shape[1]
    f_out = W2.shape[1]
    e = edge_index.shape[1]

    n_pad = -(-(n + 1) // 2048) * 2048
    x_pad = jnp.pad(x, ((0, n_pad - n), (0, 0)))

    nb = -(-e // (N_TEC * EBQ))
    nb = -(-nb // 16) * 16
    nbt = nb
    e_pad = N_TEC * nbt * EBQ
    ei = edge_index.astype(jnp.int32)
    src = jnp.concatenate(
        [ei[0], jnp.zeros((e_pad - e,), jnp.int32)]).reshape(N_TEC, nbt, EBQ)
    dst = jnp.concatenate(
        [ei[1], jnp.full((e_pad - e,), n, jnp.int32)]).reshape(N_TEC, nbt, EBQ)

    deg16 = _make_deg_kernel(n_pad, nbt)(dst)
    bm = 2048
    mgrid = n_pad // bm
    dinv = pl.pallas_call(
        _dinv_kernel,
        grid=(mgrid,),
        in_specs=[pl.BlockSpec((2, bm, 16), lambda m: (0, m, 0))],
        out_specs=pl.BlockSpec((bm, 128), lambda m: (m, 0)),
        out_shape=jax.ShapeDtypeStruct((n_pad, 128), F32),
    )(deg16)

    c1 = f_mid // FC
    h1 = pl.pallas_call(
        _mm1_kernel,
        grid=(c1, mgrid),
        in_specs=[
            pl.BlockSpec((bm, f_in), lambda c, m: (m, 0)),
            pl.BlockSpec((f_in, FC), lambda c, m: (0, c)),
            pl.BlockSpec((bm, 128), lambda c, m: (m, 0)),
        ],
        out_specs=pl.BlockSpec((1, bm, FC), lambda c, m: (c, m, 0)),
        out_shape=jax.ShapeDtypeStruct((c1, n_pad, FC), F32),
    )(x_pad, W1, dinv)

    agg1 = _make_agg_kernel(n_pad, nb, c1)(h1, src, dst)

    c2 = f_out // FC
    b1r = b1.reshape(c1, 1, FC)
    h2 = pl.pallas_call(
        _mm2_kernel,
        grid=(c2, mgrid, c1),
        in_specs=[
            pl.BlockSpec((1, bm, FC), lambda nn, m, k: (k, m, 0)),
            pl.BlockSpec((FC, FC), lambda nn, m, k: (k, nn)),
            pl.BlockSpec((1, 1, FC), lambda nn, m, k: (k, 0, 0)),
            pl.BlockSpec((bm, 128), lambda nn, m, k: (m, 0)),
        ],
        out_specs=pl.BlockSpec((1, bm, FC), lambda nn, m, k: (nn, m, 0)),
        out_shape=jax.ShapeDtypeStruct((c2, n_pad, FC), F32),
    )(agg1, W2, b1r, dinv)

    agg2 = _make_agg_kernel(n_pad, nb, c2)(h2, src, dst)

    b2r = b2.reshape(c2, 1, FC)
    bm_f = 2000
    out = pl.pallas_call(
        _final_kernel,
        grid=(c2, n // bm_f),
        in_specs=[
            pl.BlockSpec((1, bm_f, FC), lambda nn, m: (nn, m, 0)),
            pl.BlockSpec((1, 1, FC), lambda nn, m: (nn, 0, 0)),
            pl.BlockSpec((bm_f, 128), lambda nn, m: (m, 0)),
        ],
        out_specs=pl.BlockSpec((bm_f, FC), lambda nn, m: (m, nn)),
        out_shape=jax.ShapeDtypeStruct((n, f_out), F32),
    )(agg2, b2r, dinv)

    return out

# --- scband reference (transcript-rebuilt; emitter-appended) ---
"""Pipeline reference for scband-solar-panel-conv-gnn-14310831030468 (READ-ONLY COPY).

The authoritative reference and input builder live on the scoring server;
editing this copy changes nothing except your own understanding.
"""

import jax, jax.numpy as jnp
import numpy as np

N_NODES = 10000

def gcn_conv(x, edge_index, W, b):
    n = x.shape[0]
    src = edge_index[0]
    dst = edge_index[1]
    # add self loops (PyG GCNConv default add_self_loops=True)
    loop = jnp.arange(n, dtype=edge_index.dtype)
    src = jnp.concatenate([src, loop])
    dst = jnp.concatenate([dst, loop])
    # symmetric gcn normalization: deg computed over target index
    deg = jnp.zeros((n,), dtype=x.dtype).at[dst].add(1.0)
    deg_inv_sqrt = jnp.where(deg > 0, jax.lax.rsqrt(deg), 0.0)
    norm = deg_inv_sqrt[src] * deg_inv_sqrt[dst]
    # linear transform first, then propagate (message + scatter-add)
    h = x @ W
    msg = h[src] * norm[:, None]
    out = jnp.zeros((n, W.shape[1]), dtype=x.dtype).at[dst].add(msg)
    return out + b

def setup_inputs(seed: int = 0) -> dict:
    key = jax.random.key(seed)
    k1, k2, k3, k4, k5 = jax.random.split(key, 5)
    x = jax.random.normal(k1, (N_NODES, 256), dtype=jnp.float32)
    edge_index = jax.random.randint(k2, (2, 160000), 0, N_NODES, dtype=jnp.int64)
    # GCNConv weights (glorot) and biases
    W1 = jax.random.normal(k3, (256, 512), dtype=jnp.float32) * (1.0 / np.sqrt(256))
    b1 = jnp.zeros((512,), dtype=jnp.float32)
    W2 = jax.random.normal(k4, (512, 256), dtype=jnp.float32) * (1.0 / np.sqrt(512))
    b2 = jnp.zeros((256,), dtype=jnp.float32)
    return {"x": x, "edge_index": edge_index, "W1": W1, "b1": b1, "W2": W2, "b2": b2}

def reference(x, edge_index, W1, b1, W2, b2):
    h = gcn_conv(x, edge_index, W1, b1)
    h = jax.nn.relu(h)
    out = gcn_conv(h, edge_index, W2, b2)
    return out

if __name__ == "__main__":
    import jax
    _d = setup_inputs()
    print(jax.jit(kernel)(*tuple(_d.values())))

</pallas_src>

<mosaic_0001>
#map = affine_map<(d0, d1) -> (0, 0, 0)>
module attributes {stable_mosaic.version = 14 : i64} {
  func.func @deg_kernel(%arg0: i32, %arg1: i32, %arg2: memref<16x80x128xi32, #tpu.memory_space<hbm>>, %arg3: memref<2x10240x16xf32, #tpu.memory_space<hbm>>, %arg4: memref<40x128xi32, #tpu.memory_space<vmem>>, %arg5: memref<128x16xf32, #tpu.memory_space<vmem>>, %arg6: memref<128x16xf32, #tpu.memory_space<vmem>>, %arg7: memref<10240x16xf32, #tpu.memory_space<vmem_shared>>) attributes {dimension_semantics = [#tpu.dimension_semantics<core_parallel>, #tpu.dimension_semantics<subcore_parallel>], iteration_bounds = array<i64: 2, 16>, scalar_prefetch = 0 : i64, scratch_operands = 4 : i64, tpu.core_type = #tpu.core_type<sc_vector_subcore>, window_params = [{transform_indices = #map}, {transform_indices = #map}]} {
    %iota3A = tpu.iota {dimensions = array<i32: 0>} : vector<16xi32>
    %eq3A = arith.constant 0 : i32
    %eq3A_0 = vector.broadcast %eq3A : i32 to vector<16xi32>
    %eq3A_1 = arith.cmpi eq, %iota3A, %eq3A_0 : vector<16xi32>
    %jit3A = arith.constant 1.000000e+00 : f32
    %jit3A_2 = arith.constant 0.000000e+00 : f32
    %broadcast_in_dim3A = vector.broadcast %jit3A : f32 to vector<16xf32>
    %broadcast_in_dim3A_3 = vector.broadcast %jit3A_2 : f32 to vector<16xf32>
    %select_n3A = arith.select %eq3A_1, %broadcast_in_dim3A, %broadcast_in_dim3A_3 : vector<16xi1>, vector<16xf32>
    %broadcast_in_dim3A_4 = arith.constant 0.000000e+00 : f32
    %broadcast_in_dim3A_5 = vector.broadcast %broadcast_in_dim3A_4 : f32 to vector<16xf32>
    %scan3A = arith.constant 0 : i32
    %scan3A_6 = arith.constant 0 : i32
    %scan3A_7 = arith.constant 128 : i32
    %scan3A_8 = arith.addi %scan3A_6, %scan3A_7 : i32
    %scan3A_9 = arith.constant 1 : i32
    %scan3A_10 = scf.for %scan3A_44 = %scan3A_6 to %scan3A_8 step %scan3A_9 iter_args(%scan3A_45 = %scan3A) -> (i32)  : i32 {
      %swap3A = arith.index_cast %scan3A_44 : i32 to index
      %swap3A_46 = arith.constant 0 : index
      %swap3A_47 = tpu.vector_load %arg5[%swap3A, %swap3A_46] {strides = array<i32>} : memref<128x16xf32, #tpu.memory_space<vmem>>, vector<1x16xf32>,
      %swap3A_48 = vector.shape_cast %swap3A_47 : vector<1x16xf32> to vector<16xf32>
      %swap3A_49 = vector.shape_cast %select_n3A : vector<16xf32> to vector<1x16xf32>
      tpu.vector_store %arg5[%swap3A, %swap3A_46], %swap3A_49 {strides = array<i32>} : memref<128x16xf32, #tpu.memory_space<vmem>>, vector<1x16xf32>,
      %swap3A_50 = arith.index_cast %scan3A_44 : i32 to index
      %swap3A_51 = arith.constant 0 : index
      %swap3A_52 = tpu.vector_load %arg6[%swap3A_50, %swap3A_51] {strides = array<i32>} : memref<128x16xf32, #tpu.memory_space<vmem>>, vector<1x16xf32>,
      %swap3A_53 = vector.shape_cast %swap3A_52 : vector<1x16xf32> to vector<16xf32>
      %swap3A_54 = vector.shape_cast %broadcast_in_dim3A_5 : vector<16xf32> to vector<1x16xf32>
      tpu.vector_store %arg6[%swap3A_50, %swap3A_51], %swap3A_54 {strides = array<i32>} : memref<128x16xf32, #tpu.memory_space<vmem>>, vector<1x16xf32>,
      %scan3A_55 = arith.constant 0 : i32
      scf.yield %scan3A_55 : i32
    }
    %scan3A_11 = arith.constant 128 : i32
    %mul3A = arith.constant 640 : i32
    %mul3A_12 = arith.muli %arg1, %mul3A : i32
    %add3A = arith.constant 0 : i32
    %add3A_13 = arith.addi %mul3A_12, %add3A : i32
    "tpu.region"() ({
      %run_scoped3A = tpu.sem_alloc : memref<!tpu.dma_semaphore, #tpu.memory_space<semaphore_mem>>
      %dma_start3A = arith.constant 0 : i32
      %dma_start3A_44 = tpu.memref_slice %arg7[%add3A_13, %dma_start3A] : memref<10240x16xf32, #tpu.memory_space<vmem_shared>> -> memref<128x16xf32, #tpu.memory_space<vmem_shared>>
      %dma_start3A_45 = arith.constant 0 : i32
      %dma_start3A_46 = tpu.memref_slice %arg7[%add3A_13, %dma_start3A_45] : memref<10240x16xf32, #tpu.memory_space<vmem_shared>> -> memref<128x16xf32, #tpu.memory_space<vmem_shared>>
      tpu.enqueue_dma source(%arg6 : memref<128x16xf32, #tpu.memory_space<vmem>>) target(%dma_start3A_46 : memref<128x16xf32, #tpu.memory_space<vmem_shared>>) target_semaphore(%run_scoped3A : memref<!tpu.dma_semaphore, #tpu.memory_space<semaphore_mem>>)
      %dma_wait3A = arith.constant 0 : i32
      %dma_wait3A_47 = tpu.memref_slice %arg7[%add3A_13, %dma_wait3A] : memref<10240x16xf32, #tpu.memory_space<vmem_shared>> -> memref<128x16xf32, #tpu.memory_space<vmem_shared>>
      %dma_wait3A_48 = arith.constant 0 : i32
      %dma_wait3A_49 = tpu.memref_slice %arg7[%add3A_13, %dma_wait3A_48] : memref<10240x16xf32, #tpu.memory_space<vmem_shared>> -> memref<128x16xf32, #tpu.memory_space<vmem_shared>>
      tpu.wait_dma2 semaphore(%run_scoped3A : memref<!tpu.dma_semaphore, #tpu.memory_space<semaphore_mem>>) src(%arg6 : memref<128x16xf32, #tpu.memory_space<vmem>>) dst(%dma_wait3A_49 : memref<128x16xf32, #tpu.memory_space<vmem_shared>>)
      tpu.yield
    }) : () -> ()
    %mul3A_14 = arith.constant 640 : i32
    %mul3A_15 = arith.muli %arg1, %mul3A_14 : i32
    %add3A_16 = arith.constant 128 : i32
    %add3A_17 = arith.addi %mul3A_15, %add3A_16 : i32
    "tpu.region"() ({
      %run_scoped3A = tpu.sem_alloc : memref<!tpu.dma_semaphore, #tpu.memory_space<semaphore_mem>>
      %dma_start3A = arith.constant 0 : i32
      %dma_start3A_44 = tpu.memref_slice %arg7[%add3A_17, %dma_start3A] : memref<10240x16xf32, #tpu.memory_space<vmem_shared>> -> memref<128x16xf32, #tpu.memory_space<vmem_shared>>
      %dma_start3A_45 = arith.constant 0 : i32
      %dma_start3A_46 = tpu.memref_slice %arg7[%add3A_17, %dma_start3A_45] : memref<10240x16xf32, #tpu.memory_space<vmem_shared>> -> memref<128x16xf32, #tpu.memory_space<vmem_shared>>
      tpu.enqueue_dma source(%arg6 : memref<128x16xf32, #tpu.memory_space<vmem>>) target(%dma_start3A_46 : memref<128x16xf32, #tpu.memory_space<vmem_shared>>) target_semaphore(%run_scoped3A : memref<!tpu.dma_semaphore, #tpu.memory_space<semaphore_mem>>)
      %dma_wait3A = arith.constant 0 : i32
      %dma_wait3A_47 = tpu.memref_slice %arg7[%add3A_17, %dma_wait3A] : memref<10240x16xf32, #tpu.memory_space<vmem_shared>> -> memref<128x16xf32, #tpu.memory_space<vmem_shared>>
      %dma_wait3A_48 = arith.constant 0 : i32
      %dma_wait3A_49 = tpu.memref_slice %arg7[%add3A_17, %dma_wait3A_48] : memref<10240x16xf32, #tpu.memory_space<vmem_shared>> -> memref<128x16xf32, #tpu.memory_space<vmem_shared>>
      tpu.wait_dma2 semaphore(%run_scoped3A : memref<!tpu.dma_semaphore, #tpu.memory_space<semaphore_mem>>) src(%arg6 : memref<128x16xf32, #tpu.memory_space<vmem>>) dst(%dma_wait3A_49 : memref<128x16xf32, #tpu.memory_space<vmem_shared>>)
      tpu.yield
    }) : () -> ()
    %mul3A_18 = arith.constant 640 : i32
    %mul3A_19 = arith.muli %arg1, %mul3A_18 : i32
    %add3A_20 = arith.constant 256 : i32
    %add3A_21 = arith.addi %mul3A_19, %add3A_20 : i32
    "tpu.region"() ({
      %run_scoped3A = tpu.sem_alloc : memref<!tpu.dma_semaphore, #tpu.memory_space<semaphore_mem>>
      %dma_start3A = arith.constant 0 : i32
      %dma_start3A_44 = tpu.memref_slice %arg7[%add3A_21, %dma_start3A] : memref<10240x16xf32, #tpu.memory_space<vmem_shared>> -> memref<128x16xf32, #tpu.memory_space<vmem_shared>>
      %dma_start3A_45 = arith.constant 0 : i32
      %dma_start3A_46 = tpu.memref_slice %arg7[%add3A_21, %dma_start3A_45] : memref<10240x16xf32, #tpu.memory_space<vmem_shared>> -> memref<128x16xf32, #tpu.memory_space<vmem_shared>>
      tpu.enqueue_dma source(%arg6 : memref<128x16xf32, #tpu.memory_space<vmem>>) target(%dma_start3A_46 : memref<128x16xf32, #tpu.memory_space<vmem_shared>>) target_semaphore(%run_scoped3A : memref<!tpu.dma_semaphore, #tpu.memory_space<semaphore_mem>>)
      %dma_wait3A = arith.constant 0 : i32
      %dma_wait3A_47 = tpu.memref_slice %arg7[%add3A_21, %dma_wait3A] : memref<10240x16xf32, #tpu.memory_space<vmem_shared>> -> memref<128x16xf32, #tpu.memory_space<vmem_shared>>
      %dma_wait3A_48 = arith.constant 0 : i32
      %dma_wait3A_49 = tpu.memref_slice %arg7[%add3A_21, %dma_wait3A_48] : memref<10240x16xf32, #tpu.memory_space<vmem_shared>> -> memref<128x16xf32, #tpu.memory_space<vmem_shared>>
      tpu.wait_dma2 semaphore(%run_scoped3A : memref<!tpu.dma_semaphore, #tpu.memory_space<semaphore_mem>>) src(%arg6 : memref<128x16xf32, #tpu.memory_space<vmem>>) dst(%dma_wait3A_49 : memref<128x16xf32, #tpu.memory_space<vmem_shared>>)
      tpu.yield
    }) : () -> ()
    %mul3A_22 = arith.constant 640 : i32
    %mul3A_23 = arith.muli %arg1, %mul3A_22 : i32
    %add3A_24 = arith.constant 384 : i32
    %add3A_25 = arith.addi %mul3A_23, %add3A_24 : i32
    "tpu.region"() ({
      %run_scoped3A = tpu.sem_alloc : memref<!tpu.dma_semaphore, #tpu.memory_space<semaphore_mem>>
      %dma_start3A = arith.constant 0 : i32
      %dma_start3A_44 = tpu.memref_slice %arg7[%add3A_25, %dma_start3A] : memref<10240x16xf32, #tpu.memory_space<vmem_shared>> -> memref<128x16xf32, #tpu.memory_space<vmem_shared>>
      %dma_start3A_45 = arith.constant 0 : i32
      %dma_start3A_46 = tpu.memref_slice %arg7[%add3A_25, %dma_start3A_45] : memref<10240x16xf32, #tpu.memory_space<vmem_shared>> -> memref<128x16xf32, #tpu.memory_space<vmem_shared>>
      tpu.enqueue_dma source(%arg6 : memref<128x16xf32, #tpu.memory_space<vmem>>) target(%dma_start3A_46 : memref<128x16xf32, #tpu.memory_space<vmem_shared>>) target_semaphore(%run_scoped3A : memref<!tpu.dma_semaphore, #tpu.memory_space<semaphore_mem>>)
      %dma_wait3A = arith.constant 0 : i32
      %dma_wait3A_47 = tpu.memref_slice %arg7[%add3A_25, %dma_wait3A] : memref<10240x16xf32, #tpu.memory_space<vmem_shared>> -> memref<128x16xf32, #tpu.memory_space<vmem_shared>>
      %dma_wait3A_48 = arith.constant 0 : i32
      %dma_wait3A_49 = tpu.memref_slice %arg7[%add3A_25, %dma_wait3A_48] : memref<10240x16xf32, #tpu.memory_space<vmem_shared>> -> memref<128x16xf32, #tpu.memory_space<vmem_shared>>
      tpu.wait_dma2 semaphore(%run_scoped3A : memref<!tpu.dma_semaphore, #tpu.memory_space<semaphore_mem>>) src(%arg6 : memref<128x16xf32, #tpu.memory_space<vmem>>) dst(%dma_wait3A_49 : memref<128x16xf32, #tpu.memory_space<vmem_shared>>)
      tpu.yield
    }) : () -> ()
    %mul3A_26 = arith.constant 640 : i32
    %mul3A_27 = arith.muli %arg1, %mul3A_26 : i32
    %add3A_28 = arith.constant 512 : i32
    %add3A_29 = arith.addi %mul3A_27, %add3A_28 : i32
    "tpu.region"() ({
      %run_scoped3A = tpu.sem_alloc : memref<!tpu.dma_semaphore, #tpu.memory_space<semaphore_mem>>
      %dma_start3A = arith.constant 0 : i32
      %dma_start3A_44 = tpu.memref_slice %arg7[%add3A_29, %dma_start3A] : memref<10240x16xf32, #tpu.memory_space<vmem_shared>> -> memref<128x16xf32, #tpu.memory_space<vmem_shared>>
      %dma_start3A_45 = arith.constant 0 : i32
      %dma_start3A_46 = tpu.memref_slice %arg7[%add3A_29, %dma_start3A_45] : memref<10240x16xf32, #tpu.memory_space<vmem_shared>> -> memref<128x16xf32, #tpu.memory_space<vmem_shared>>
      tpu.enqueue_dma source(%arg6 : memref<128x16xf32, #tpu.memory_space<vmem>>) target(%dma_start3A_46 : memref<128x16xf32, #tpu.memory_space<vmem_shared>>) target_semaphore(%run_scoped3A : memref<!tpu.dma_semaphore, #tpu.memory_space<semaphore_mem>>)
      %dma_wait3A = arith.constant 0 : i32
      %dma_wait3A_47 = tpu.memref_slice %arg7[%add3A_29, %dma_wait3A] : memref<10240x16xf32, #tpu.memory_space<vmem_shared>> -> memref<128x16xf32, #tpu.memory_space<vmem_shared>>
      %dma_wait3A_48 = arith.constant 0 : i32
      %dma_wait3A_49 = tpu.memref_slice %arg7[%add3A_29, %dma_wait3A_48] : memref<10240x16xf32, #tpu.memory_space<vmem_shared>> -> memref<128x16xf32, #tpu.memory_space<vmem_shared>>
      tpu.wait_dma2 semaphore(%run_scoped3A : memref<!tpu.dma_semaphore, #tpu.memory_space<semaphore_mem>>) src(%arg6 : memref<128x16xf32, #tpu.memory_space<vmem>>) dst(%dma_wait3A_49 : memref<128x16xf32, #tpu.memory_space<vmem_shared>>)
      tpu.yield
    }) : () -> ()
    %mul3A_30 = arith.constant 40 : i32
    %mul3A_31 = arith.muli %arg0, %mul3A_30 : i32
    "tpu.region"() ({
      %run_scoped3A = tpu.sem_alloc : memref<!tpu.dma_semaphore, #tpu.memory_space<semaphore_mem>>
      %dma_start3A = arith.constant 0 : i32
      %dma_start3A_44 = tpu.memref_slice %arg2[%arg1, %mul3A_31, %dma_start3A] : memref<16x80x128xi32, #tpu.memory_space<hbm>> -> memref<1x40x128xi32, #tpu.memory_space<hbm>>
      %dma_start3A_45 = tpu.memref_squeeze %dma_start3A_44 : memref<1x40x128xi32, #tpu.memory_space<hbm>> -> memref<40x128xi32, #tpu.memory_space<hbm>>
      %dma_start3A_46 = arith.constant 0 : i32
      %dma_start3A_47 = tpu.memref_slice %arg2[%arg1, %mul3A_31, %dma_start3A_46] : memref<16x80x128xi32, #tpu.memory_space<hbm>> -> memref<1x40x128xi32, #tpu.memory_space<hbm>>
      %dma_start3A_48 = tpu.memref_squeeze %dma_start3A_47 : memref<1x40x128xi32, #tpu.memory_space<hbm>> -> memref<40x128xi32, #tpu.memory_space<hbm>>
      tpu.enqueue_dma source(%dma_start3A_48 : memref<40x128xi32, #tpu.memory_space<hbm>>) target(%arg4 : memref<40x128xi32, #tpu.memory_space<vmem>>) target_semaphore(%run_scoped3A : memref<!tpu.dma_semaphore, #tpu.memory_space<semaphore_mem>>)
      %dma_wait3A = arith.constant 0 : i32
      %dma_wait3A_49 = tpu.memref_slice %arg2[%arg1, %mul3A_31, %dma_wait3A] : memref<16x80x128xi32, #tpu.memory_space<hbm>> -> memref<1x40x128xi32, #tpu.memory_space<hbm>>
      %dma_wait3A_50 = tpu.memref_squeeze %dma_wait3A_49 : memref<1x40x128xi32, #tpu.memory_space<hbm>> -> memref<40x128xi32, #tpu.memory_space<hbm>>
      %dma_wait3A_51 = arith.constant 0 : i32
      %dma_wait3A_52 = tpu.memref_slice %arg2[%arg1, %mul3A_31, %dma_wait3A_51] : memref<16x80x128xi32, #tpu.memory_space<hbm>> -> memref<1x40x128xi32, #tpu.memory_space<hbm>>
      %dma_wait3A_53 = tpu.memref_squeeze %dma_wait3A_52 : memref<1x40x128xi32, #tpu.memory_space<hbm>> -> memref<40x128xi32, #tpu.memory_space<hbm>>
      tpu.wait_dma2 semaphore(%run_scoped3A : memref<!tpu.dma_semaphore, #tpu.memory_space<semaphore_mem>>) src(%dma_wait3A_53 : memref<40x128xi32, #tpu.memory_space<hbm>>) dst(%arg4 : memref<40x128xi32, #tpu.memory_space<vmem>>)
      tpu.yield
    }) : () -> ()
    %barrier3A = arith.constant 0 : index
    tpu.barrier barrier_id(%barrier3A)
    %scan3A_32 = arith.constant 0 : i32
    %scan3A_33 = arith.constant 0 : i32
    %scan3A_34 = arith.constant 40 : i32
    %scan3A_35 = arith.addi %scan3A_33, %scan3A_34 : i32
    %scan3A_36 = arith.constant 1 : i32
    %scan3A_37 = scf.for %scan3A_44 = %scan3A_33 to %scan3A_35 step %scan3A_36 iter_args(%scan3A_45 = %scan3A_32) -> (i32)  : i32 {
      "tpu.region"() ({
        %run_scoped3A = tpu.sem_alloc : memref<!tpu.dma_semaphore, #tpu.memory_space<semaphore_mem>>
        %dma_start3A = arith.constant 0 : i32
        %dma_start3A_47 = tpu.memref_slice %arg4[%scan3A_44, %dma_start3A] : memref<40x128xi32, #tpu.memory_space<vmem>> -> memref<1x128xi32, #tpu.memory_space<vmem>>
        %dma_start3A_48 = tpu.memref_squeeze %dma_start3A_47 : memref<1x128xi32, #tpu.memory_space<vmem>> -> memref<128xi32, #tpu.memory_space<vmem>>
        %dma_start3A_49 = arith.constant 0 : i32
        %dma_start3A_50 = arith.constant 0 : i32
        %dma_start3A_51 = tpu.memref_slice %arg7[%dma_start3A_49, %dma_start3A_50] : memref<10240x16xf32, #tpu.memory_space<vmem_shared>> -> memref<10240x16xf32, #tpu.memory_space<vmem_shared>>
        tpu.enqueue_indirect_dma source(%arg5 : memref<128x16xf32, #tpu.memory_space<vmem>>) target(%dma_start3A_51 : memref<10240x16xf32, #tpu.memory_space<vmem_shared>>) offsets(%dma_start3A_48 : memref<128xi32, #tpu.memory_space<vmem>>) semaphore(%run_scoped3A : memref<!tpu.dma_semaphore, #tpu.memory_space<semaphore_mem>>) {add = true}
        %dma_wait3A = arith.constant 0 : i32
        %dma_wait3A_52 = tpu.memref_slice %arg4[%scan3A_44, %dma_wait3A] : memref<40x128xi32, #tpu.memory_space<vmem>> -> memref<1x128xi32, #tpu.memory_space<vmem>>
        %dma_wait3A_53 = tpu.memref_squeeze %dma_wait3A_52 : memref<1x128xi32, #tpu.memory_space<vmem>> -> memref<128xi32, #tpu.memory_space<vmem>>
        %dma_wait3A_54 = arith.constant 0 : i32
        %dma_wait3A_55 = arith.constant 0 : i32
        %dma_wait3A_56 = tpu.memref_slice %arg7[%dma_wait3A_54, %dma_wait3A_55] : memref<10240x16xf32, #tpu.memory_space<vmem_shared>> -> memref<10240x16xf32, #tpu.memory_space<vmem_shared>>
        tpu.wait_indirect_dma semaphore(%run_scoped3A : memref<!tpu.dma_semaphore, #tpu.memory_space<semaphore_mem>>) src(%arg5 : memref<128x16xf32, #tpu.memory_space<vmem>>) dst(%dma_wait3A_56 : memref<10240x16xf32, #tpu.memory_space<vmem_shared>>)
        tpu.yield
      }) : () -> ()
      %scan3A_46 = arith.constant 0 : i32
      scf.yield %scan3A_46 : i32
    }
    %scan3A_38 = arith.constant 40 : i32
    %barrier3A_39 = arith.constant 0 : index
    tpu.barrier barrier_id(%barrier3A_39)
    %mul3A_40 = arith.constant 640 : i32
    %mul3A_41 = arith.muli %arg1, %mul3A_40 : i32
    %mul3A_42 = arith.constant 640 : i32
    %mul3A_43 = arith.muli %arg1, %mul3A_42 : i32
    "tpu.region"() ({
      %run_scoped3A = tpu.sem_alloc : memref<!tpu.dma_semaphore, #tpu.memory_space<semaphore_mem>>
      %dma_start3A = arith.constant 0 : i32
      %dma_start3A_44 = arith.constant 0 : i32
      %dma_start3A_45 = tpu.memref_slice %arg3[%arg0, %dma_start3A, %dma_start3A_44] : memref<2x10240x16xf32, #tpu.memory_space<hbm>> -> memref<1x10240x16xf32, #tpu.memory_space<hbm>>
      %dma_start3A_46 = tpu.memref_squeeze %dma_start3A_45 : memref<1x10240x16xf32, #tpu.memory_space<hbm>> -> memref<10240x16xf32, #tpu.memory_space<hbm>>
      %dma_start3A_47 = arith.constant 0 : i32
      %dma_start3A_48 = tpu.memref_slice %dma_start3A_46[%mul3A_43, %dma_start3A_47] : memref<10240x16xf32, #tpu.memory_space<hbm>> -> memref<640x16xf32, #tpu.memory_space<hbm>>
      %dma_start3A_49 = arith.constant 0 : i32
      %dma_start3A_50 = tpu.memref_slice %arg7[%mul3A_41, %dma_start3A_49] : memref<10240x16xf32, #tpu.memory_space<vmem_shared>> -> memref<640x16xf32, #tpu.memory_space<vmem_shared>>
      tpu.enqueue_dma source(%dma_start3A_50 : memref<640x16xf32, #tpu.memory_space<vmem_shared>>) target(%dma_start3A_48 : memref<640x16xf32, #tpu.memory_space<hbm>>) target_semaphore(%run_scoped3A : memref<!tpu.dma_semaphore, #tpu.memory_space<semaphore_mem>>)
      %dma_wait3A = arith.constant 0 : i32
      %dma_wait3A_51 = arith.constant 0 : i32
      %dma_wait3A_52 = tpu.memref_slice %arg3[%arg0, %dma_wait3A, %dma_wait3A_51] : memref<2x10240x16xf32, #tpu.memory_space<hbm>> -> memref<1x10240x16xf32, #tpu.memory_space<hbm>>
      %dma_wait3A_53 = tpu.memref_squeeze %dma_wait3A_52 : memref<1x10240x16xf32, #tpu.memory_space<hbm>> -> memref<10240x16xf32, #tpu.memory_space<hbm>>
      %dma_wait3A_54 = arith.constant 0 : i32
      %dma_wait3A_55 = tpu.memref_slice %dma_wait3A_53[%mul3A_43, %dma_wait3A_54] : memref<10240x16xf32, #tpu.memory_space<hbm>> -> memref<640x16xf32, #tpu.memory_space<hbm>>
      %dma_wait3A_56 = arith.constant 0 : i32
      %dma_wait3A_57 = tpu.memref_slice %arg7[%mul3A_41, %dma_wait3A_56] : memref<10240x16xf32, #tpu.memory_space<vmem_shared>> -> memref<640x16xf32, #tpu.memory_space<vmem_shared>>
      tpu.wait_dma2 semaphore(%run_scoped3A : memref<!tpu.dma_semaphore, #tpu.memory_space<semaphore_mem>>) src(%dma_wait3A_57 : memref<640x16xf32, #tpu.memory_space<vmem_shared>>) dst(%dma_wait3A_55 : memref<640x16xf32, #tpu.memory_space<hbm>>)
      tpu.yield
    }) : () -> ()
    return
  }
}

#map = affine_map<(d0, d1) -> (0, 0, 0)>
module attributes {stable_mosaic.version = 14 : i64} {
  func.func @agg_kernel(%arg0: i32, %arg1: i32, %arg2: memref<2x10240x128xf32, #tpu.memory_space<hbm>>, %arg3: memref<16x80x128xi32, #tpu.memory_space<hbm>>, %arg4: memref<16x80x128xi32, #tpu.memory_space<hbm>>, %arg5: memref<2x10240x128xf32, #tpu.memory_space<hbm>>, %arg6: memref<80x128xi32, #tpu.memory_space<vmem>>, %arg7: memref<80x128xi32, #tpu.memory_space<vmem>>, %arg8: memref<128x128xf32, #tpu.memory_space<vmem>>, %arg9: memref<10240x128xf32, #tpu.memory_space<vmem_shared>>, %arg10: memref<!tpu.dma_semaphore, #tpu.memory_space<semaphore_mem>>) attributes {dimension_semantics = [#tpu.dimension_semantics<core_parallel>, #tpu.dimension_semantics<subcore_parallel>], iteration_bounds = array<i64: 2, 16>, scalar_prefetch = 0 : i64, scratch_operands = 5 : i64, tpu.core_type = #tpu.core_type<sc_vector_subcore>, window_params = [{transform_indices = #map}, {transform_indices = #map}, {transform_indices = #map}, {transform_indices = #map}]} {
    "tpu.region"() ({
      %run_scoped3A = tpu.sem_alloc : memref<!tpu.dma_semaphore, #tpu.memory_space<semaphore_mem>>
      %dma_start3A = arith.constant 0 : i32
      %dma_start3A_17 = arith.constant 0 : i32
      %dma_start3A_18 = tpu.memref_slice %arg3[%arg1, %dma_start3A, %dma_start3A_17] : memref<16x80x128xi32, #tpu.memory_space<hbm>> -> memref<1x80x128xi32, #tpu.memory_space<hbm>>
      %dma_start3A_19 = tpu.memref_squeeze %dma_start3A_18 : memref<1x80x128xi32, #tpu.memory_space<hbm>> -> memref<80x128xi32, #tpu.memory_space<hbm>>
      %dma_start3A_20 = arith.constant 0 : i32
      %dma_start3A_21 = arith.constant 0 : i32
      %dma_start3A_22 = tpu.memref_slice %arg3[%arg1, %dma_start3A_20, %dma_start3A_21] : memref<16x80x128xi32, #tpu.memory_space<hbm>> -> memref<1x80x128xi32, #tpu.memory_space<hbm>>
      %dma_start3A_23 = tpu.memref_squeeze %dma_start3A_22 : memref<1x80x128xi32, #tpu.memory_space<hbm>> -> memref<80x128xi32, #tpu.memory_space<hbm>>
      tpu.enqueue_dma source(%dma_start3A_23 : memref<80x128xi32, #tpu.memory_space<hbm>>) target(%arg6 : memref<80x128xi32, #tpu.memory_space<vmem>>) target_semaphore(%run_scoped3A : memref<!tpu.dma_semaphore, #tpu.memory_space<semaphore_mem>>)
      %dma_wait3A = arith.constant 0 : i32
      %dma_wait3A_24 = arith.constant 0 : i32
      %dma_wait3A_25 = tpu.memref_slice %arg3[%arg1, %dma_wait3A, %dma_wait3A_24] : memref<16x80x128xi32, #tpu.memory_space<hbm>> -> memref<1x80x128xi32, #tpu.memory_space<hbm>>
      %dma_wait3A_26 = tpu.memref_squeeze %dma_wait3A_25 : memref<1x80x128xi32, #tpu.memory_space<hbm>> -> memref<80x128xi32, #tpu.memory_space<hbm>>
      %dma_wait3A_27 = arith.constant 0 : i32
      %dma_wait3A_28 = arith.constant 0 : i32
      %dma_wait3A_29 = tpu.memref_slice %arg3[%arg1, %dma_wait3A_27, %dma_wait3A_28] : memref<16x80x128xi32, #tpu.memory_space<hbm>> -> memref<1x80x128xi32, #tpu.memory_space<hbm>>
      %dma_wait3A_30 = tpu.memref_squeeze %dma_wait3A_29 : memref<1x80x128xi32, #tpu.memory_space<hbm>> -> memref<80x128xi32, #tpu.memory_space<hbm>>
      tpu.wait_dma2 semaphore(%run_scoped3A : memref<!tpu.dma_semaphore, #tpu.memory_space<semaphore_mem>>) src(%dma_wait3A_30 : memref<80x128xi32, #tpu.memory_space<hbm>>) dst(%arg6 : memref<80x128xi32, #tpu.memory_space<vmem>>)
      tpu.yield
    }) : () -> ()
    "tpu.region"() ({
      %run_scoped3A = tpu.sem_alloc : memref<!tpu.dma_semaphore, #tpu.memory_space<semaphore_mem>>
      %dma_start3A = arith.constant 0 : i32
      %dma_start3A_17 = arith.constant 0 : i32
      %dma_start3A_18 = tpu.memref_slice %arg4[%arg1, %dma_start3A, %dma_start3A_17] : memref<16x80x128xi32, #tpu.memory_space<hbm>> -> memref<1x80x128xi32, #tpu.memory_space<hbm>>
      %dma_start3A_19 = tpu.memref_squeeze %dma_start3A_18 : memref<1x80x128xi32, #tpu.memory_space<hbm>> -> memref<80x128xi32, #tpu.memory_space<hbm>>
      %dma_start3A_20 = arith.constant 0 : i32
      %dma_start3A_21 = arith.constant 0 : i32
      %dma_start3A_22 = tpu.memref_slice %arg4[%arg1, %dma_start3A_20, %dma_start3A_21] : memref<16x80x128xi32, #tpu.memory_space<hbm>> -> memref<1x80x128xi32, #tpu.memory_space<hbm>>
      %dma_start3A_23 = tpu.memref_squeeze %dma_start3A_22 : memref<1x80x128xi32, #tpu.memory_space<hbm>> -> memref<80x128xi32, #tpu.memory_space<hbm>>
      tpu.enqueue_dma source(%dma_start3A_23 : memref<80x128xi32, #tpu.memory_space<hbm>>) target(%arg7 : memref<80x128xi32, #tpu.memory_space<vmem>>) target_semaphore(%run_scoped3A : memref<!tpu.dma_semaphore, #tpu.memory_space<semaphore_mem>>)
      %dma_wait3A = arith.constant 0 : i32
      %dma_wait3A_24 = arith.constant 0 : i32
      %dma_wait3A_25 = tpu.memref_slice %arg4[%arg1, %dma_wait3A, %dma_wait3A_24] : memref<16x80x128xi32, #tpu.memory_space<hbm>> -> memref<1x80x128xi32, #tpu.memory_space<hbm>>
      %dma_wait3A_26 = tpu.memref_squeeze %dma_wait3A_25 : memref<1x80x128xi32, #tpu.memory_space<hbm>> -> memref<80x128xi32, #tpu.memory_space<hbm>>
      %dma_wait3A_27 = arith.constant 0 : i32
      %dma_wait3A_28 = arith.constant 0 : i32
      %dma_wait3A_29 = tpu.memref_slice %arg4[%arg1, %dma_wait3A_27, %dma_wait3A_28] : memref<16x80x128xi32, #tpu.memory_space<hbm>> -> memref<1x80x128xi32, #tpu.memory_space<hbm>>
      %dma_wait3A_30 = tpu.memref_squeeze %dma_wait3A_29 : memref<1x80x128xi32, #tpu.memory_space<hbm>> -> memref<80x128xi32, #tpu.memory_space<hbm>>
      tpu.wait_dma2 semaphore(%run_scoped3A : memref<!tpu.dma_semaphore, #tpu.memory_space<semaphore_mem>>) src(%dma_wait3A_30 : memref<80x128xi32, #tpu.memory_space<hbm>>) dst(%arg7 : memref<80x128xi32, #tpu.memory_space<vmem>>)
      tpu.yield
    }) : () -> ()
    %mul3A = arith.constant 1 : i32
    %mul3A_0 = arith.muli %arg0, %mul3A : i32
    %add3A = arith.constant 0 : i32
    %add3A_1 = arith.addi %mul3A_0, %add3A : i32
    %mul3A_2 = arith.constant 640 : i32
    %mul3A_3 = arith.muli %arg1, %mul3A_2 : i32
    %mul3A_4 = arith.constant 640 : i32
    %mul3A_5 = arith.muli %arg1, %mul3A_4 : i32
    "tpu.region"() ({
      %run_scoped3A = tpu.sem_alloc : memref<!tpu.dma_semaphore, #tpu.memory_space<semaphore_mem>>
      %dma_start3A = arith.constant 0 : i32
      %dma_start3A_17 = tpu.memref_slice %arg9[%mul3A_5, %dma_start3A] : memref<10240x128xf32, #tpu.memory_space<vmem_shared>> -> memref<640x128xf32, #tpu.memory_space<vmem_shared>>
      %dma_start3A_18 = arith.constant 0 : i32
      %dma_start3A_19 = arith.constant 0 : i32
      %dma_start3A_20 = tpu.memref_slice %arg2[%add3A_1, %dma_start3A_18, %dma_start3A_19] : memref<2x10240x128xf32, #tpu.memory_space<hbm>> -> memref<1x10240x128xf32, #tpu.memory_space<hbm>>
      %dma_start3A_21 = tpu.memref_squeeze %dma_start3A_20 : memref<1x10240x128xf32, #tpu.memory_space<hbm>> -> memref<10240x128xf32, #tpu.memory_space<hbm>>
      %dma_start3A_22 = arith.constant 0 : i32
      %dma_start3A_23 = tpu.memref_slice %dma_start3A_21[%mul3A_3, %dma_start3A_22] : memref<10240x128xf32, #tpu.memory_space<hbm>> -> memref<640x128xf32, #tpu.memory_space<hbm>>
      tpu.enqueue_dma source(%dma_start3A_23 : memref<640x128xf32, #tpu.memory_space<hbm>>) target(%dma_start3A_17 : memref<640x128xf32, #tpu.memory_space<vmem_shared>>) target_semaphore(%run_scoped3A : memref<!tpu.dma_semaphore, #tpu.memory_space<semaphore_mem>>)
      %dma_wait3A = arith.constant 0 : i32
      %dma_wait3A_24 = tpu.memref_slice %arg9[%mul3A_5, %dma_wait3A] : memref<10240x128xf32, #tpu.memory_space<vmem_shared>> -> memref<640x128xf32, #tpu.memory_space<vmem_shared>>
      %dma_wait3A_25 = arith.constant 0 : i32
      %dma_wait3A_26 = arith.constant 0 : i32
      %dma_wait3A_27 = tpu.memref_slice %arg2[%add3A_1, %dma_wait3A_25, %dma_wait3A_26] : memref<2x10240x128xf32, #tpu.memory_space<hbm>> -> memref<1x10240x128xf32, #tpu.memory_space<hbm>>
      %dma_wait3A_28 = tpu.memref_squeeze %dma_wait3A_27 : memref<1x10240x128xf32, #tpu.memory_space<hbm>> -> memref<10240x128xf32, #tpu.memory_space<hbm>>
      %dma_wait3A_29 = arith.constant 0 : i32
      %dma_wait3A_30 = tpu.memref_slice %dma_wait3A_28[%mul3A_3, %dma_wait3A_29] : memref<10240x128xf32, #tpu.memory_space<hbm>> -> memref<640x128xf32, #tpu.memory_space<hbm>>
      tpu.wait_dma2 semaphore(%run_scoped3A : memref<!tpu.dma_semaphore, #tpu.memory_space<semaphore_mem>>) src(%dma_wait3A_30 : memref<640x128xf32, #tpu.memory_space<hbm>>) dst(%dma_wait3A_24 : memref<640x128xf32, #tpu.memory_space<vmem_shared>>)
      tpu.yield
    }) : () -> ()
    %barrier3A = arith.constant 0 : index
    tpu.barrier barrier_id(%barrier3A)
    %scan3A = arith.constant 0 : i32
    %scan3A_6 = arith.constant 0 : i32
    %scan3A_7 = arith.constant 80 : i32
    %scan3A_8 = arith.addi %scan3A_6, %scan3A_7 : i32
    %scan3A_9 = arith.constant 1 : i32
    %scan3A_10 = scf.for %scan3A_17 = %scan3A_6 to %scan3A_8 step %scan3A_9 iter_args(%scan3A_18 = %scan3A) -> (i32)  : i32 {
      %dma_start3A = arith.constant 0 : i32
      %dma_start3A_19 = tpu.memref_slice %arg6[%scan3A_17, %dma_start3A] : memref<80x128xi32, #tpu.memory_space<vmem>> -> memref<1x128xi32, #tpu.memory_space<vmem>>
      %dma_start3A_20 = tpu.memref_squeeze %dma_start3A_19 : memref<1x128xi32, #tpu.memory_space<vmem>> -> memref<128xi32, #tpu.memory_space<vmem>>
      %dma_start3A_21 = arith.constant 0 : i32
      %dma_start3A_22 = arith.constant 0 : i32
      %dma_start3A_23 = tpu.memref_slice %arg2[%add3A_1, %dma_start3A_21, %dma_start3A_22] : memref<2x10240x128xf32, #tpu.memory_space<hbm>> -> memref<1x10240x128xf32, #tpu.memory_space<hbm>>
      %dma_start3A_24 = tpu.memref_squeeze %dma_start3A_23 : memref<1x10240x128xf32, #tpu.memory_space<hbm>> -> memref<10240x128xf32, #tpu.memory_space<hbm>>
      %dma_start3A_25 = arith.constant 0 : i32
      %dma_start3A_26 = arith.constant 0 : i32
      %dma_start3A_27 = tpu.memref_slice %dma_start3A_24[%dma_start3A_25, %dma_start3A_26] : memref<10240x128xf32, #tpu.memory_space<hbm>> -> memref<10240x128xf32, #tpu.memory_space<hbm>>
      tpu.enqueue_indirect_dma source(%dma_start3A_27 : memref<10240x128xf32, #tpu.memory_space<hbm>>) target(%arg8 : memref<128x128xf32, #tpu.memory_space<vmem>>) offsets(%dma_start3A_20 : memref<128xi32, #tpu.memory_space<vmem>>) semaphore(%arg10 : memref<!tpu.dma_semaphore, #tpu.memory_space<semaphore_mem>>)
      %dma_wait3A = arith.constant 0 : i32
      %dma_wait3A_28 = tpu.memref_slice %arg6[%scan3A_17, %dma_wait3A] : memref<80x128xi32, #tpu.memory_space<vmem>> -> memref<1x128xi32, #tpu.memory_space<vmem>>
      %dma_wait3A_29 = tpu.memref_squeeze %dma_wait3A_28 : memref<1x128xi32, #tpu.memory_space<vmem>> -> memref<128xi32, #tpu.memory_space<vmem>>
      %dma_wait3A_30 = arith.constant 0 : i32
      %dma_wait3A_31 = arith.constant 0 : i32
      %dma_wait3A_32 = tpu.memref_slice %arg2[%add3A_1, %dma_wait3A_30, %dma_wait3A_31] : memref<2x10240x128xf32, #tpu.memory_space<hbm>> -> memref<1x10240x128xf32, #tpu.memory_space<hbm>>
      %dma_wait3A_33 = tpu.memref_squeeze %dma_wait3A_32 : memref<1x10240x128xf32, #tpu.memory_space<hbm>> -> memref<10240x128xf32, #tpu.memory_space<hbm>>
      %dma_wait3A_34 = arith.constant 0 : i32
      %dma_wait3A_35 = arith.constant 0 : i32
      %dma_wait3A_36 = tpu.memref_slice %dma_wait3A_33[%dma_wait3A_34, %dma_wait3A_35] : memref<10240x128xf32, #tpu.memory_space<hbm>> -> memref<10240x128xf32, #tpu.memory_space<hbm>>
      tpu.wait_indirect_dma semaphore(%arg10 : memref<!tpu.dma_semaphore, #tpu.memory_space<semaphore_mem>>) src(%dma_wait3A_36 : memref<10240x128xf32, #tpu.memory_space<hbm>>) dst(%arg8 : memref<128x128xf32, #tpu.memory_space<vmem>>)
      "tpu.region"() ({
        %run_scoped3A = tpu.sem_alloc : memref<!tpu.dma_semaphore, #tpu.memory_space<semaphore_mem>>
        %dma_start3A_38 = arith.constant 0 : i32
        %dma_start3A_39 = tpu.memref_slice %arg7[%scan3A_17, %dma_start3A_38] : memref<80x128xi32, #tpu.memory_space<vmem>> -> memref<1x128xi32, #tpu.memory_space<vmem>>
        %dma_start3A_40 = tpu.memref_squeeze %dma_start3A_39 : memref<1x128xi32, #tpu.memory_space<vmem>> -> memref<128xi32, #tpu.memory_space<vmem>>
        %dma_start3A_41 = arith.constant 0 : i32
        %dma_start3A_42 = arith.constant 0 : i32
        %dma_start3A_43 = tpu.memref_slice %arg9[%dma_start3A_41, %dma_start3A_42] : memref<10240x128xf32, #tpu.memory_space<vmem_shared>> -> memref<10240x128xf32, #tpu.memory_space<vmem_shared>>
        tpu.enqueue_indirect_dma source(%arg8 : memref<128x128xf32, #tpu.memory_space<vmem>>) target(%dma_start3A_43 : memref<10240x128xf32, #tpu.memory_space<vmem_shared>>) offsets(%dma_start3A_40 : memref<128xi32, #tpu.memory_space<vmem>>) semaphore(%run_scoped3A : memref<!tpu.dma_semaphore, #tpu.memory_space<semaphore_mem>>) {add = true}
        %dma_wait3A_44 = arith.constant 0 : i32
        %dma_wait3A_45 = tpu.memref_slice %arg7[%scan3A_17, %dma_wait3A_44] : memref<80x128xi32, #tpu.memory_space<vmem>> -> memref<1x128xi32, #tpu.memory_space<vmem>>
        %dma_wait3A_46 = tpu.memref_squeeze %dma_wait3A_45 : memref<1x128xi32, #tpu.memory_space<vmem>> -> memref<128xi32, #tpu.memory_space<vmem>>
        %dma_wait3A_47 = arith.constant 0 : i32
        %dma_wait3A_48 = arith.constant 0 : i32
        %dma_wait3A_49 = tpu.memref_slice %arg9[%dma_wait3A_47, %dma_wait3A_48] : memref<10240x128xf32, #tpu.memory_space<vmem_shared>> -> memref<10240x128xf32, #tpu.memory_space<vmem_shared>>
        tpu.wait_indirect_dma semaphore(%run_scoped3A : memref<!tpu.dma_semaphore, #tpu.memory_space<semaphore_mem>>) src(%arg8 : memref<128x128xf32, #tpu.memory_space<vmem>>) dst(%dma_wait3A_49 : memref<10240x128xf32, #tpu.memory_space<vmem_shared>>)
        tpu.yield
      }) : () -> ()
      %scan3A_37 = arith.constant 0 : i32
      scf.yield %scan3A_37 : i32
    }
    %scan3A_11 = arith.constant 80 : i32
    %barrier3A_12 = arith.constant 0 : index
    tpu.barrier barrier_id(%barrier3A_12)
    %mul3A_13 = arith.constant 640 : i32
    %mul3A_14 = arith.muli %arg1, %mul3A_13 : i32
    %mul3A_15 = arith.constant 640 : i32
    %mul3A_16 = arith.muli %arg1, %mul3A_15 : i32
    "tpu.region"() ({
      %run_scoped3A = tpu.sem_alloc : memref<!tpu.dma_semaphore, #tpu.memory_space<semaphore_mem>>
      %dma_start3A = arith.constant 0 : i32
      %dma_start3A_17 = arith.constant 0 : i32
      %dma_start3A_18 = tpu.memref_slice %arg5[%add3A_1, %dma_start3A, %dma_start3A_17] : memref<2x10240x128xf32, #tpu.memory_space<hbm>> -> memref<1x10240x128xf32, #tpu.memory_space<hbm>>
      %dma_start3A_19 = tpu.memref_squeeze %dma_start3A_18 : memref<1x10240x128xf32, #tpu.memory_space<hbm>> -> memref<10240x128xf32, #tpu.memory_space<hbm>>
      %dma_start3A_20 = arith.constant 0 : i32
      %dma_start3A_21 = tpu.memref_slice %dma_start3A_19[%mul3A_16, %dma_start3A_20] : memref<10240x128xf32, #tpu.memory_space<hbm>> -> memref<640x128xf32, #tpu.memory_space<hbm>>
      %dma_start3A_22 = arith.constant 0 : i32
      %dma_start3A_23 = tpu.memref_slice %arg9[%mul3A_14, %dma_start3A_22] : memref<10240x128xf32, #tpu.memory_space<vmem_shared>> -> memref<640x128xf32, #tpu.memory_space<vmem_shared>>
      tpu.enqueue_dma source(%dma_start3A_23 : memref<640x128xf32, #tpu.memory_space<vmem_shared>>) target(%dma_start3A_21 : memref<640x128xf32, #tpu.memory_space<hbm>>) target_semaphore(%run_scoped3A : memref<!tpu.dma_semaphore, #tpu.memory_space<semaphore_mem>>)
      %dma_wait3A = arith.constant 0 : i32
      %dma_wait3A_24 = arith.constant 0 : i32
      %dma_wait3A_25 = tpu.memref_slice %arg5[%add3A_1, %dma_wait3A, %dma_wait3A_24] : memref<2x10240x128xf32, #tpu.memory_space<hbm>> -> memref<1x10240x128xf32, #tpu.memory_space<hbm>>
      %dma_wait3A_26 = tpu.memref_squeeze %dma_wait3A_25 : memref<1x10240x128xf32, #tpu.memory_space<hbm>> -> memref<10240x128xf32, #tpu.memory_space<hbm>>
      %dma_wait3A_27 = arith.constant 0 : i32
      %dma_wait3A_28 = tpu.memref_slice %dma_wait3A_26[%mul3A_16, %dma_wait3A_27] : memref<10240x128xf32, #tpu.memory_space<hbm>> -> memref<640x128xf32, #tpu.memory_space<hbm>>
      %dma_wait3A_29 = arith.constant 0 : i32
      %dma_wait3A_30 = tpu.memref_slice %arg9[%mul3A_14, %dma_wait3A_29] : memref<10240x128xf32, #tpu.memory_space<vmem_shared>> -> memref<640x128xf32, #tpu.memory_space<vmem_shared>>
      tpu.wait_dma2 semaphore(%run_scoped3A : memref<!tpu.dma_semaphore, #tpu.memory_space<semaphore_mem>>) src(%dma_wait3A_30 : memref<640x128xf32, #tpu.memory_space<vmem_shared>>) dst(%dma_wait3A_28 : memref<640x128xf32, #tpu.memory_space<hbm>>)
      tpu.yield
    }) : () -> ()
    return
  }
}

#map = affine_map<(d0, d1) -> (0, 0, 0)>
module attributes {stable_mosaic.version = 14 : i64} {
  func.func @agg_kernel(%arg0: i32, %arg1: i32, %arg2: memref<4x10240x128xf32, #tpu.memory_space<hbm>>, %arg3: memref<16x80x128xi32, #tpu.memory_space<hbm>>, %arg4: memref<16x80x128xi32, #tpu.memory_space<hbm>>, %arg5: memref<4x10240x128xf32, #tpu.memory_space<hbm>>, %arg6: memref<80x128xi32, #tpu.memory_space<vmem>>, %arg7: memref<80x128xi32, #tpu.memory_space<vmem>>, %arg8: memref<128x128xf32, #tpu.memory_space<vmem>>, %arg9: memref<10240x128xf32, #tpu.memory_space<vmem_shared>>, %arg10: memref<!tpu.dma_semaphore, #tpu.memory_space<semaphore_mem>>) attributes {dimension_semantics = [#tpu.dimension_semantics<core_parallel>, #tpu.dimension_semantics<subcore_parallel>], iteration_bounds = array<i64: 2, 16>, scalar_prefetch = 0 : i64, scratch_operands = 5 : i64, tpu.core_type = #tpu.core_type<sc_vector_subcore>, window_params = [{transform_indices = #map}, {transform_indices = #map}, {transform_indices = #map}, {transform_indices = #map}]} {
    "tpu.region"() ({
      %run_scoped3A = tpu.sem_alloc : memref<!tpu.dma_semaphore, #tpu.memory_space<semaphore_mem>>
      %dma_start3A = arith.constant 0 : i32
      %dma_start3A_39 = arith.constant 0 : i32
      %dma_start3A_40 = tpu.memref_slice %arg3[%arg1, %dma_start3A, %dma_start3A_39] : memref<16x80x128xi32, #tpu.memory_space<hbm>> -> memref<1x80x128xi32, #tpu.memory_space<hbm>>
      %dma_start3A_41 = tpu.memref_squeeze %dma_start3A_40 : memref<1x80x128xi32, #tpu.memory_space<hbm>> -> memref<80x128xi32, #tpu.memory_space<hbm>>
      %dma_start3A_42 = arith.constant 0 : i32
      %dma_start3A_43 = arith.constant 0 : i32
      %dma_start3A_44 = tpu.memref_slice %arg3[%arg1, %dma_start3A_42, %dma_start3A_43] : memref<16x80x128xi32, #tpu.memory_space<hbm>> -> memref<1x80x128xi32, #tpu.memory_space<hbm>>
      %dma_start3A_45 = tpu.memref_squeeze %dma_start3A_44 : memref<1x80x128xi32, #tpu.memory_space<hbm>> -> memref<80x128xi32, #tpu.memory_space<hbm>>
      tpu.enqueue_dma source(%dma_start3A_45 : memref<80x128xi32, #tpu.memory_space<hbm>>) target(%arg6 : memref<80x128xi32, #tpu.memory_space<vmem>>) target_semaphore(%run_scoped3A : memref<!tpu.dma_semaphore, #tpu.memory_space<semaphore_mem>>)
      %dma_wait3A = arith.constant 0 : i32
      %dma_wait3A_46 = arith.constant 0 : i32
      %dma_wait3A_47 = tpu.memref_slice %arg3[%arg1, %dma_wait3A, %dma_wait3A_46] : memref<16x80x128xi32, #tpu.memory_space<hbm>> -> memref<1x80x128xi32, #tpu.memory_space<hbm>>
      %dma_wait3A_48 = tpu.memref_squeeze %dma_wait3A_47 : memref<1x80x128xi32, #tpu.memory_space<hbm>> -> memref<80x128xi32, #tpu.memory_space<hbm>>
      %dma_wait3A_49 = arith.constant 0 : i32
      %dma_wait3A_50 = arith.constant 0 : i32
      %dma_wait3A_51 = tpu.memref_slice %arg3[%arg1, %dma_wait3A_49, %dma_wait3A_50] : memref<16x80x128xi32, #tpu.memory_space<hbm>> -> memref<1x80x128xi32, #tpu.memory_space<hbm>>
      %dma_wait3A_52 = tpu.memref_squeeze %dma_wait3A_51 : memref<1x80x128xi32, #tpu.memory_space<hbm>> -> memref<80x128xi32, #tpu.memory_space<hbm>>
      tpu.wait_dma2 semaphore(%run_scoped3A : memref<!tpu.dma_semaphore, #tpu.memory_space<semaphore_mem>>) src(%dma_wait3A_52 : memref<80x128xi32, #tpu.memory_space<hbm>>) dst(%arg6 : memref<80x128xi32, #tpu.memory_space<vmem>>)
      tpu.yield
    }) : () -> ()
    "tpu.region"() ({
      %run_scoped3A = tpu.sem_alloc : memref<!tpu.dma_semaphore, #tpu.memory_space<semaphore_mem>>
      %dma_start3A = arith.constant 0 : i32
      %dma_start3A_39 = arith.constant 0 : i32
      %dma_start3A_40 = tpu.memref_slice %arg4[%arg1, %dma_start3A, %dma_start3A_39] : memref<16x80x128xi32, #tpu.memory_space<hbm>> -> memref<1x80x128xi32, #tpu.memory_space<hbm>>
      %dma_start3A_41 = tpu.memref_squeeze %dma_start3A_40 : memref<1x80x128xi32, #tpu.memory_space<hbm>> -> memref<80x128xi32, #tpu.memory_space<hbm>>
      %dma_start3A_42 = arith.constant 0 : i32
      %dma_start3A_43 = arith.constant 0 : i32
      %dma_start3A_44 = tpu.memref_slice %arg4[%arg1, %dma_start3A_42, %dma_start3A_43] : memref<16x80x128xi32, #tpu.memory_space<hbm>> -> memref<1x80x128xi32, #tpu.memory_space<hbm>>
      %dma_start3A_45 = tpu.memref_squeeze %dma_start3A_44 : memref<1x80x128xi32, #tpu.memory_space<hbm>> -> memref<80x128xi32, #tpu.memory_space<hbm>>
      tpu.enqueue_dma source(%dma_start3A_45 : memref<80x128xi32, #tpu.memory_space<hbm>>) target(%arg7 : memref<80x128xi32, #tpu.memory_space<vmem>>) target_semaphore(%run_scoped3A : memref<!tpu.dma_semaphore, #tpu.memory_space<semaphore_mem>>)
      %dma_wait3A = arith.constant 0 : i32
      %dma_wait3A_46 = arith.constant 0 : i32
      %dma_wait3A_47 = tpu.memref_slice %arg4[%arg1, %dma_wait3A, %dma_wait3A_46] : memref<16x80x128xi32, #tpu.memory_space<hbm>> -> memref<1x80x128xi32, #tpu.memory_space<hbm>>
      %dma_wait3A_48 = tpu.memref_squeeze %dma_wait3A_47 : memref<1x80x128xi32, #tpu.memory_space<hbm>> -> memref<80x128xi32, #tpu.memory_space<hbm>>
      %dma_wait3A_49 = arith.constant 0 : i32
      %dma_wait3A_50 = arith.constant 0 : i32
      %dma_wait3A_51 = tpu.memref_slice %arg4[%arg1, %dma_wait3A_49, %dma_wait3A_50] : memref<16x80x128xi32, #tpu.memory_space<hbm>> -> memref<1x80x128xi32, #tpu.memory_space<hbm>>
      %dma_wait3A_52 = tpu.memref_squeeze %dma_wait3A_51 : memref<1x80x128xi32, #tpu.memory_space<hbm>> -> memref<80x128xi32, #tpu.memory_space<hbm>>
      tpu.wait_dma2 semaphore(%run_scoped3A : memref<!tpu.dma_semaphore, #tpu.memory_space<semaphore_mem>>) src(%dma_wait3A_52 : memref<80x128xi32, #tpu.memory_space<hbm>>) dst(%arg7 : memref<80x128xi32, #tpu.memory_space<vmem>>)
      tpu.yield
    }) : () -> ()
    %mul3A = arith.constant 2 : i32
    %mul3A_0 = arith.muli %arg0, %mul3A : i32
    %add3A = arith.constant 0 : i32
    %add3A_1 = arith.addi %mul3A_0, %add3A : i32
    %mul3A_2 = arith.constant 640 : i32
    %mul3A_3 = arith.muli %arg1, %mul3A_2 : i32
    %mul3A_4 = arith.constant 640 : i32
    %mul3A_5 = arith.muli %arg1, %mul3A_4 : i32
    "tpu.region"() ({
      %run_scoped3A = tpu.sem_alloc : memref<!tpu.dma_semaphore, #tpu.memory_space<semaphore_mem>>
      %dma_start3A = arith.constant 0 : i32
      %dma_start3A_39 = tpu.memref_slice %arg9[%mul3A_5, %dma_start3A] : memref<10240x128xf32, #tpu.memory_space<vmem_shared>> -> memref<640x128xf32, #tpu.memory_space<vmem_shared>>
      %dma_start3A_40 = arith.constant 0 : i32
      %dma_start3A_41 = arith.constant 0 : i32
      %dma_start3A_42 = tpu.memref_slice %arg2[%add3A_1, %dma_start3A_40, %dma_start3A_41] : memref<4x10240x128xf32, #tpu.memory_space<hbm>> -> memref<1x10240x128xf32, #tpu.memory_space<hbm>>
      %dma_start3A_43 = tpu.memref_squeeze %dma_start3A_42 : memref<1x10240x128xf32, #tpu.memory_space<hbm>> -> memref<10240x128xf32, #tpu.memory_space<hbm>>
      %dma_start3A_44 = arith.constant 0 : i32
      %dma_start3A_45 = tpu.memref_slice %dma_start3A_43[%mul3A_3, %dma_start3A_44] : memref<10240x128xf32, #tpu.memory_space<hbm>> -> memref<640x128xf32, #tpu.memory_space<hbm>>
      tpu.enqueue_dma source(%dma_start3A_45 : memref<640x128xf32, #tpu.memory_space<hbm>>) target(%dma_start3A_39 : memref<640x128xf32, #tpu.memory_space<vmem_shared>>) target_semaphore(%run_scoped3A : memref<!tpu.dma_semaphore, #tpu.memory_space<semaphore_mem>>)
      %dma_wait3A = arith.constant 0 : i32
      %dma_wait3A_46 = tpu.memref_slice %arg9[%mul3A_5, %dma_wait3A] : memref<10240x128xf32, #tpu.memory_space<vmem_shared>> -> memref<640x128xf32, #tpu.memory_space<vmem_shared>>
      %dma_wait3A_47 = arith.constant 0 : i32
      %dma_wait3A_48 = arith.constant 0 : i32
      %dma_wait3A_49 = tpu.memref_slice %arg2[%add3A_1, %dma_wait3A_47, %dma_wait3A_48] : memref<4x10240x128xf32, #tpu.memory_space<hbm>> -> memref<1x10240x128xf32, #tpu.memory_space<hbm>>
      %dma_wait3A_50 = tpu.memref_squeeze %dma_wait3A_49 : memref<1x10240x128xf32, #tpu.memory_space<hbm>> -> memref<10240x128xf32, #tpu.memory_space<hbm>>
      %dma_wait3A_51 = arith.constant 0 : i32
      %dma_wait3A_52 = tpu.memref_slice %dma_wait3A_50[%mul3A_3, %dma_wait3A_51] : memref<10240x128xf32, #tpu.memory_space<hbm>> -> memref<640x128xf32, #tpu.memory_space<hbm>>
      tpu.wait_dma2 semaphore(%run_scoped3A : memref<!tpu.dma_semaphore, #tpu.memory_space<semaphore_mem>>) src(%dma_wait3A_52 : memref<640x128xf32, #tpu.memory_space<hbm>>) dst(%dma_wait3A_46 : memref<640x128xf32, #tpu.memory_space<vmem_shared>>)
      tpu.yield
    }) : () -> ()
    %barrier3A = arith.constant 0 : index
    tpu.barrier barrier_id(%barrier3A)
    %scan3A = arith.constant 0 : i32
    %scan3A_6 = arith.constant 0 : i32
    %scan3A_7 = arith.constant 80 : i32
    %scan3A_8 = arith.addi %scan3A_6, %scan3A_7 : i32
    %scan3A_9 = arith.constant 1 : i32
    %scan3A_10 = scf.for %scan3A_39 = %scan3A_6 to %scan3A_8 step %scan3A_9 iter_args(%scan3A_40 = %scan3A) -> (i32)  : i32 {
      %dma_start3A = arith.constant 0 : i32
      %dma_start3A_41 = tpu.memref_slice %arg6[%scan3A_39, %dma_start3A] : memref<80x128xi32, #tpu.memory_space<vmem>> -> memref<1x128xi32, #tpu.memory_space<vmem>>
      %dma_start3A_42 = tpu.memref_squeeze %dma_start3A_41 : memref<1x128xi32, #tpu.memory_space<vmem>> -> memref<128xi32, #tpu.memory_space<vmem>>
      %dma_start3A_43 = arith.constant 0 : i32
      %dma_start3A_44 = arith.constant 0 : i32
      %dma_start3A_45 = tpu.memref_slice %arg2[%add3A_1, %dma_start3A_43, %dma_start3A_44] : memref<4x10240x128xf32, #tpu.memory_space<hbm>> -> memref<1x10240x128xf32, #tpu.memory_space<hbm>>
      %dma_start3A_46 = tpu.memref_squeeze %dma_start3A_45 : memref<1x10240x128xf32, #tpu.memory_space<hbm>> -> memref<10240x128xf32, #tpu.memory_space<hbm>>
      %dma_start3A_47 = arith.constant 0 : i32
      %dma_start3A_48 = arith.constant 0 : i32
      %dma_start3A_49 = tpu.memref_slice %dma_start3A_46[%dma_start3A_47, %dma_start3A_48] : memref<10240x128xf32, #tpu.memory_space<hbm>> -> memref<10240x128xf32, #tpu.memory_space<hbm>>
      tpu.enqueue_indirect_dma source(%dma_start3A_49 : memref<10240x128xf32, #tpu.memory_space<hbm>>) target(%arg8 : memref<128x128xf32, #tpu.memory_space<vmem>>) offsets(%dma_start3A_42 : memref<128xi32, #tpu.memory_space<vmem>>) semaphore(%arg10 : memref<!tpu.dma_semaphore, #tpu.memory_space<semaphore_mem>>)
      %dma_wait3A = arith.constant 0 : i32
      %dma_wait3A_50 = tpu.memref_slice %arg6[%scan3A_39, %dma_wait3A] : memref<80x128xi32, #tpu.memory_space<vmem>> -> memref<1x128xi32, #tpu.memory_space<vmem>>
      %dma_wait3A_51 = tpu.memref_squeeze %dma_wait3A_50 : memref<1x128xi32, #tpu.memory_space<vmem>> -> memref<128xi32, #tpu.memory_space<vmem>>
      %dma_wait3A_52 = arith.constant 0 : i32
      %dma_wait3A_53 = arith.constant 0 : i32
      %dma_wait3A_54 = tpu.memref_slice %arg2[%add3A_1, %dma_wait3A_52, %dma_wait3A_53] : memref<4x10240x128xf32, #tpu.memory_space<hbm>> -> memref<1x10240x128xf32, #tpu.memory_space<hbm>>
      %dma_wait3A_55 = tpu.memref_squeeze %dma_wait3A_54 : memref<1x10240x128xf32, #tpu.memory_space<hbm>> -> memref<10240x128xf32, #tpu.memory_space<hbm>>
      %dma_wait3A_56 = arith.constant 0 : i32
      %dma_wait3A_57 = arith.constant 0 : i32
      %dma_wait3A_58 = tpu.memref_slice %dma_wait3A_55[%dma_wait3A_56, %dma_wait3A_57] : memref<10240x128xf32, #tpu.memory_space<hbm>> -> memref<10240x128xf32, #tpu.memory_space<hbm>>
      tpu.wait_indirect_dma semaphore(%arg10 : memref<!tpu.dma_semaphore, #tpu.memory_space<semaphore_mem>>) src(%dma_wait3A_58 : memref<10240x128xf32, #tpu.memory_space<hbm>>) dst(%arg8 : memref<128x128xf32, #tpu.memory_space<vmem>>)
      "tpu.region"() ({
        %run_scoped3A = tpu.sem_alloc : memref<!tpu.dma_semaphore, #tpu.memory_space<semaphore_mem>>
        %dma_start3A_60 = arith.constant 0 : i32
        %dma_start3A_61 = tpu.memref_slice %arg7[%scan3A_39, %dma_start3A_60] : memref<80x128xi32, #tpu.memory_space<vmem>> -> memref<1x128xi32, #tpu.memory_space<vmem>>
        %dma_start3A_62 = tpu.memref_squeeze %dma_start3A_61 : memref<1x128xi32, #tpu.memory_space<vmem>> -> memref<128xi32, #tpu.memory_space<vmem>>
        %dma_start3A_63 = arith.constant 0 : i32
        %dma_start3A_64 = arith.constant 0 : i32
        %dma_start3A_65 = tpu.memref_slice %arg9[%dma_start3A_63, %dma_start3A_64] : memref<10240x128xf32, #tpu.memory_space<vmem_shared>> -> memref<10240x128xf32, #tpu.memory_space<vmem_shared>>
        tpu.enqueue_indirect_dma source(%arg8 : memref<128x128xf32, #tpu.memory_space<vmem>>) target(%dma_start3A_65 : memref<10240x128xf32, #tpu.memory_space<vmem_shared>>) offsets(%dma_start3A_62 : memref<128xi32, #tpu.memory_space<vmem>>) semaphore(%run_scoped3A : memref<!tpu.dma_semaphore, #tpu.memory_space<semaphore_mem>>) {add = true}
        %dma_wait3A_66 = arith.constant 0 : i32
        %dma_wait3A_67 = tpu.memref_slice %arg7[%scan3A_39, %dma_wait3A_66] : memref<80x128xi32, #tpu.memory_space<vmem>> -> memref<1x128xi32, #tpu.memory_space<vmem>>
        %dma_wait3A_68 = tpu.memref_squeeze %dma_wait3A_67 : memref<1x128xi32, #tpu.memory_space<vmem>> -> memref<128xi32, #tpu.memory_space<vmem>>
        %dma_wait3A_69 = arith.constant 0 : i32
        %dma_wait3A_70 = arith.constant 0 : i32
        %dma_wait3A_71 = tpu.memref_slice %arg9[%dma_wait3A_69, %dma_wait3A_70] : memref<10240x128xf32, #tpu.memory_space<vmem_shared>> -> memref<10240x128xf32, #tpu.memory_space<vmem_shared>>
        tpu.wait_indirect_dma semaphore(%run_scoped3A : memref<!tpu.dma_semaphore, #tpu.memory_space<semaphore_mem>>) src(%arg8 : memref<128x128xf32, #tpu.memory_space<vmem>>) dst(%dma_wait3A_71 : memref<10240x128xf32, #tpu.memory_space<vmem_shared>>)
        tpu.yield
      }) : () -> ()
      %scan3A_59 = arith.constant 0 : i32
      scf.yield %scan3A_59 : i32
    }
    %scan3A_11 = arith.constant 80 : i32
    %barrier3A_12 = arith.constant 0 : index
    tpu.barrier barrier_id(%barrier3A_12)
    %mul3A_13 = arith.constant 640 : i32
    %mul3A_14 = arith.muli %arg1, %mul3A_13 : i32
    %mul3A_15 = arith.constant 640 : i32
    %mul3A_16 = arith.muli %arg1, %mul3A_15 : i32
    "tpu.region"() ({
      %run_scoped3A = tpu.sem_alloc : memref<!tpu.dma_semaphore, #tpu.memory_space<semaphore_mem>>
      %dma_start3A = arith.constant 0 : i32
      %dma_start3A_39 = arith.constant 0 : i32
      %dma_start3A_40 = tpu.memref_slice %arg5[%add3A_1, %dma_start3A, %dma_start3A_39] : memref<4x10240x128xf32, #tpu.memory_space<hbm>> -> memref<1x10240x128xf32, #tpu.memory_space<hbm>>
      %dma_start3A_41 = tpu.memref_squeeze %dma_start3A_40 : memref<1x10240x128xf32, #tpu.memory_space<hbm>> -> memref<10240x128xf32, #tpu.memory_space<hbm>>
      %dma_start3A_42 = arith.constant 0 : i32
      %dma_start3A_43 = tpu.memref_slice %dma_start3A_41[%mul3A_16, %dma_start3A_42] : memref<10240x128xf32, #tpu.memory_space<hbm>> -> memref<640x128xf32, #tpu.memory_space<hbm>>
      %dma_start3A_44 = arith.constant 0 : i32
      %dma_start3A_45 = tpu.memref_slice %arg9[%mul3A_14, %dma_start3A_44] : memref<10240x128xf32, #tpu.memory_space<vmem_shared>> -> memref<640x128xf32, #tpu.memory_space<vmem_shared>>
      tpu.enqueue_dma source(%dma_start3A_45 : memref<640x128xf32, #tpu.memory_space<vmem_shared>>) target(%dma_start3A_43 : memref<640x128xf32, #tpu.memory_space<hbm>>) target_semaphore(%run_scoped3A : memref<!tpu.dma_semaphore, #tpu.memory_space<semaphore_mem>>)
      %dma_wait3A = arith.constant 0 : i32
      %dma_wait3A_46 = arith.constant 0 : i32
      %dma_wait3A_47 = tpu.memref_slice %arg5[%add3A_1, %dma_wait3A, %dma_wait3A_46] : memref<4x10240x128xf32, #tpu.memory_space<hbm>> -> memref<1x10240x128xf32, #tpu.memory_space<hbm>>
      %dma_wait3A_48 = tpu.memref_squeeze %dma_wait3A_47 : memref<1x10240x128xf32, #tpu.memory_space<hbm>> -> memref<10240x128xf32, #tpu.memory_space<hbm>>
      %dma_wait3A_49 = arith.constant 0 : i32
      %dma_wait3A_50 = tpu.memref_slice %dma_wait3A_48[%mul3A_16, %dma_wait3A_49] : memref<10240x128xf32, #tpu.memory_space<hbm>> -> memref<640x128xf32, #tpu.memory_space<hbm>>
      %dma_wait3A_51 = arith.constant 0 : i32
      %dma_wait3A_52 = tpu.memref_slice %arg9[%mul3A_14, %dma_wait3A_51] : memref<10240x128xf32, #tpu.memory_space<vmem_shared>> -> memref<640x128xf32, #tpu.memory_space<vmem_shared>>
      tpu.wait_dma2 semaphore(%run_scoped3A : memref<!tpu.dma_semaphore, #tpu.memory_space<semaphore_mem>>) src(%dma_wait3A_52 : memref<640x128xf32, #tpu.memory_space<vmem_shared>>) dst(%dma_wait3A_50 : memref<640x128xf32, #tpu.memory_space<hbm>>)
      tpu.yield
    }) : () -> ()
    %barrier3A_17 = arith.constant 0 : index
    tpu.barrier barrier_id(%barrier3A_17)
    %mul3A_18 = arith.constant 2 : i32
    %mul3A_19 = arith.muli %arg0, %mul3A_18 : i32
    %add3A_20 = arith.constant 1 : i32
    %add3A_21 = arith.addi %mul3A_19, %add3A_20 : i32
    %mul3A_22 = arith.constant 640 : i32
    %mul3A_23 = arith.muli %arg1, %mul3A_22 : i32
    %mul3A_24 = arith.constant 640 : i32
    %mul3A_25 = arith.muli %arg1, %mul3A_24 : i32
    "tpu.region"() ({
      %run_scoped3A = tpu.sem_alloc : memref<!tpu.dma_semaphore, #tpu.memory_space<semaphore_mem>>
      %dma_start3A = arith.constant 0 : i32
      %dma_start3A_39 = tpu.memref_slice %arg9[%mul3A_25, %dma_start3A] : memref<10240x128xf32, #tpu.memory_space<vmem_shared>> -> memref<640x128xf32, #tpu.memory_space<vmem_shared>>
      %dma_start3A_40 = arith.constant 0 : i32
      %dma_start3A_41 = arith.constant 0 : i32
      %dma_start3A_42 = tpu.memref_slice %arg2[%add3A_21, %dma_start3A_40, %dma_start3A_41] : memref<4x10240x128xf32, #tpu.memory_space<hbm>> -> memref<1x10240x128xf32, #tpu.memory_space<hbm>>
      %dma_start3A_43 = tpu.memref_squeeze %dma_start3A_42 : memref<1x10240x128xf32, #tpu.memory_space<hbm>> -> memref<10240x128xf32, #tpu.memory_space<hbm>>
      %dma_start3A_44 = arith.constant 0 : i32
      %dma_start3A_45 = tpu.memref_slice %dma_start3A_43[%mul3A_23, %dma_start3A_44] : memref<10240x128xf32, #tpu.memory_space<hbm>> -> memref<640x128xf32, #tpu.memory_space<hbm>>
      tpu.enqueue_dma source(%dma_start3A_45 : memref<640x128xf32, #tpu.memory_space<hbm>>) target(%dma_start3A_39 : memref<640x128xf32, #tpu.memory_space<vmem_shared>>) target_semaphore(%run_scoped3A : memref<!tpu.dma_semaphore, #tpu.memory_space<semaphore_mem>>)
      %dma_wait3A = arith.constant 0 : i32
      %dma_wait3A_46 = tpu.memref_slice %arg9[%mul3A_25, %dma_wait3A] : memref<10240x128xf32, #tpu.memory_space<vmem_shared>> -> memref<640x128xf32, #tpu.memory_space<vmem_shared>>
      %dma_wait3A_47 = arith.constant 0 : i32
      %dma_wait3A_48 = arith.constant 0 : i32
      %dma_wait3A_49 = tpu.memref_slice %arg2[%add3A_21, %dma_wait3A_47, %dma_wait3A_48] : memref<4x10240x128xf32, #tpu.memory_space<hbm>> -> memref<1x10240x128xf32, #tpu.memory_space<hbm>>
      %dma_wait3A_50 = tpu.memref_squeeze %dma_wait3A_49 : memref<1x10240x128xf32, #tpu.memory_space<hbm>> -> memref<10240x128xf32, #tpu.memory_space<hbm>>
      %dma_wait3A_51 = arith.constant 0 : i32
      %dma_wait3A_52 = tpu.memref_slice %dma_wait3A_50[%mul3A_23, %dma_wait3A_51] : memref<10240x128xf32, #tpu.memory_space<hbm>> -> memref<640x128xf32, #tpu.memory_space<hbm>>
      tpu.wait_dma2 semaphore(%run_scoped3A : memref<!tpu.dma_semaphore, #tpu.memory_space<semaphore_mem>>) src(%dma_wait3A_52 : memref<640x128xf32, #tpu.memory_space<hbm>>) dst(%dma_wait3A_46 : memref<640x128xf32, #tpu.memory_space<vmem_shared>>)
      tpu.yield
    }) : () -> ()
    %barrier3A_26 = arith.constant 0 : index
    tpu.barrier barrier_id(%barrier3A_26)
    %scan3A_27 = arith.constant 0 : i32
    %scan3A_28 = arith.constant 0 : i32
    %scan3A_29 = arith.constant 80 : i32
    %scan3A_30 = arith.addi %scan3A_28, %scan3A_29 : i32
    %scan3A_31 = arith.constant 1 : i32
    %scan3A_32 = scf.for %scan3A_39 = %scan3A_28 to %scan3A_30 step %scan3A_31 iter_args(%scan3A_40 = %scan3A_27) -> (i32)  : i32 {
      %dma_start3A = arith.constant 0 : i32
      %dma_start3A_41 = tpu.memref_slice %arg6[%scan3A_39, %dma_start3A] : memref<80x128xi32, #tpu.memory_space<vmem>> -> memref<1x128xi32, #tpu.memory_space<vmem>>
      %dma_start3A_42 = tpu.memref_squeeze %dma_start3A_41 : memref<1x128xi32, #tpu.memory_space<vmem>> -> memref<128xi32, #tpu.memory_space<vmem>>
      %dma_start3A_43 = arith.constant 0 : i32
      %dma_start3A_44 = arith.constant 0 : i32
      %dma_start3A_45 = tpu.memref_slice %arg2[%add3A_21, %dma_start3A_43, %dma_start3A_44] : memref<4x10240x128xf32, #tpu.memory_space<hbm>> -> memref<1x10240x128xf32, #tpu.memory_space<hbm>>
      %dma_start3A_46 = tpu.memref_squeeze %dma_start3A_45 : memref<1x10240x128xf32, #tpu.memory_space<hbm>> -> memref<10240x128xf32, #tpu.memory_space<hbm>>
      %dma_start3A_47 = arith.constant 0 : i32
      %dma_start3A_48 = arith.constant 0 : i32
      %dma_start3A_49 = tpu.memref_slice %dma_start3A_46[%dma_start3A_47, %dma_start3A_48] : memref<10240x128xf32, #tpu.memory_space<hbm>> -> memref<10240x128xf32, #tpu.memory_space<hbm>>
      tpu.enqueue_indirect_dma source(%dma_start3A_49 : memref<10240x128xf32, #tpu.memory_space<hbm>>) target(%arg8 : memref<128x128xf32, #tpu.memory_space<vmem>>) offsets(%dma_start3A_42 : memref<128xi32, #tpu.memory_space<vmem>>) semaphore(%arg10 : memref<!tpu.dma_semaphore, #tpu.memory_space<semaphore_mem>>)
      %dma_wait3A = arith.constant 0 : i32
      %dma_wait3A_50 = tpu.memref_slice %arg6[%scan3A_39, %dma_wait3A] : memref<80x128xi32, #tpu.memory_space<vmem>> -> memref<1x128xi32, #tpu.memory_space<vmem>>
      %dma_wait3A_51 = tpu.memref_squeeze %dma_wait3A_50 : memref<1x128xi32, #tpu.memory_space<vmem>> -> memref<128xi32, #tpu.memory_space<vmem>>
      %dma_wait3A_52 = arith.constant 0 : i32
      %dma_wait3A_53 = arith.constant 0 : i32
      %dma_wait3A_54 = tpu.memref_slice %arg2[%add3A_21, %dma_wait3A_52, %dma_wait3A_53] : memref<4x10240x128xf32, #tpu.memory_space<hbm>> -> memref<1x10240x128xf32, #tpu.memory_space<hbm>>
      %dma_wait3A_55 = tpu.memref_squeeze %dma_wait3A_54 : memref<1x10240x128xf32, #tpu.memory_space<hbm>> -> memref<10240x128xf32, #tpu.memory_space<hbm>>
      %dma_wait3A_56 = arith.constant 0 : i32
      %dma_wait3A_57 = arith.constant 0 : i32
      %dma_wait3A_58 = tpu.memref_slice %dma_wait3A_55[%dma_wait3A_56, %dma_wait3A_57] : memref<10240x128xf32, #tpu.memory_space<hbm>> -> memref<10240x128xf32, #tpu.memory_space<hbm>>
      tpu.wait_indirect_dma semaphore(%arg10 : memref<!tpu.dma_semaphore, #tpu.memory_space<semaphore_mem>>) src(%dma_wait3A_58 : memref<10240x128xf32, #tpu.memory_space<hbm>>) dst(%arg8 : memref<128x128xf32, #tpu.memory_space<vmem>>)
      "tpu.region"() ({
        %run_scoped3A = tpu.sem_alloc : memref<!tpu.dma_semaphore, #tpu.memory_space<semaphore_mem>>
        %dma_start3A_60 = arith.constant 0 : i32
        %dma_start3A_61 = tpu.memref_slice %arg7[%scan3A_39, %dma_start3A_60] : memref<80x128xi32, #tpu.memory_space<vmem>> -> memref<1x128xi32, #tpu.memory_space<vmem>>
        %dma_start3A_62 = tpu.memref_squeeze %dma_start3A_61 : memref<1x128xi32, #tpu.memory_space<vmem>> -> memref<128xi32, #tpu.memory_space<vmem>>
        %dma_start3A_63 = arith.constant 0 : i32
        %dma_start3A_64 = arith.constant 0 : i32
        %dma_start3A_65 = tpu.memref_slice %arg9[%dma_start3A_63, %dma_start3A_64] : memref<10240x128xf32, #tpu.memory_space<vmem_shared>> -> memref<10240x128xf32, #tpu.memory_space<vmem_shared>>
        tpu.enqueue_indirect_dma source(%arg8 : memref<128x128xf32, #tpu.memory_space<vmem>>) target(%dma_start3A_65 : memref<10240x128xf32, #tpu.memory_space<vmem_shared>>) offsets(%dma_start3A_62 : memref<128xi32, #tpu.memory_space<vmem>>) semaphore(%run_scoped3A : memref<!tpu.dma_semaphore, #tpu.memory_space<semaphore_mem>>) {add = true}
        %dma_wait3A_66 = arith.constant 0 : i32
        %dma_wait3A_67 = tpu.memref_slice %arg7[%scan3A_39, %dma_wait3A_66] : memref<80x128xi32, #tpu.memory_space<vmem>> -> memref<1x128xi32, #tpu.memory_space<vmem>>
        %dma_wait3A_68 = tpu.memref_squeeze %dma_wait3A_67 : memref<1x128xi32, #tpu.memory_space<vmem>> -> memref<128xi32, #tpu.memory_space<vmem>>
        %dma_wait3A_69 = arith.constant 0 : i32
        %dma_wait3A_70 = arith.constant 0 : i32
        %dma_wait3A_71 = tpu.memref_slice %arg9[%dma_wait3A_69, %dma_wait3A_70] : memref<10240x128xf32, #tpu.memory_space<vmem_shared>> -> memref<10240x128xf32, #tpu.memory_space<vmem_shared>>
        tpu.wait_indirect_dma semaphore(%run_scoped3A : memref<!tpu.dma_semaphore, #tpu.memory_space<semaphore_mem>>) src(%arg8 : memref<128x128xf32, #tpu.memory_space<vmem>>) dst(%dma_wait3A_71 : memref<10240x128xf32, #tpu.memory_space<vmem_shared>>)
        tpu.yield
      }) : () -> ()
      %scan3A_59 = arith.constant 0 : i32
      scf.yield %scan3A_59 : i32
    }
    %scan3A_33 = arith.constant 80 : i32
    %barrier3A_34 = arith.constant 0 : index
    tpu.barrier barrier_id(%barrier3A_34)
    %mul3A_35 = arith.constant 640 : i32
    %mul3A_36 = arith.muli %arg1, %mul3A_35 : i32
    %mul3A_37 = arith.constant 640 : i32
    %mul3A_38 = arith.muli %arg1, %mul3A_37 : i32
    "tpu.region"() ({
      %run_scoped3A = tpu.sem_alloc : memref<!tpu.dma_semaphore, #tpu.memory_space<semaphore_mem>>
      %dma_start3A = arith.constant 0 : i32
      %dma_start3A_39 = arith.constant 0 : i32
      %dma_start3A_40 = tpu.memref_slice %arg5[%add3A_21, %dma_start3A, %dma_start3A_39] : memref<4x10240x128xf32, #tpu.memory_space<hbm>> -> memref<1x10240x128xf32, #tpu.memory_space<hbm>>
      %dma_start3A_41 = tpu.memref_squeeze %dma_start3A_40 : memref<1x10240x128xf32, #tpu.memory_space<hbm>> -> memref<10240x128xf32, #tpu.memory_space<hbm>>
      %dma_start3A_42 = arith.constant 0 : i32
      %dma_start3A_43 = tpu.memref_slice %dma_start3A_41[%mul3A_38, %dma_start3A_42] : memref<10240x128xf32, #tpu.memory_space<hbm>> -> memref<640x128xf32, #tpu.memory_space<hbm>>
      %dma_start3A_44 = arith.constant 0 : i32
      %dma_start3A_45 = tpu.memref_slice %arg9[%mul3A_36, %dma_start3A_44] : memref<10240x128xf32, #tpu.memory_space<vmem_shared>> -> memref<640x128xf32, #tpu.memory_space<vmem_shared>>
      tpu.enqueue_dma source(%dma_start3A_45 : memref<640x128xf32, #tpu.memory_space<vmem_shared>>) target(%dma_start3A_43 : memref<640x128xf32, #tpu.memory_space<hbm>>) target_semaphore(%run_scoped3A : memref<!tpu.dma_semaphore, #tpu.memory_space<semaphore_mem>>)
      %dma_wait3A = arith.constant 0 : i32
      %dma_wait3A_46 = arith.constant 0 : i32
      %dma_wait3A_47 = tpu.memref_slice %arg5[%add3A_21, %dma_wait3A, %dma_wait3A_46] : memref<4x10240x128xf32, #tpu.memory_space<hbm>> -> memref<1x10240x128xf32, #tpu.memory_space<hbm>>
      %dma_wait3A_48 = tpu.memref_squeeze %dma_wait3A_47 : memref<1x10240x128xf32, #tpu.memory_space<hbm>> -> memref<10240x128xf32, #tpu.memory_space<hbm>>
      %dma_wait3A_49 = arith.constant 0 : i32
      %dma_wait3A_50 = tpu.memref_slice %dma_wait3A_48[%mul3A_38, %dma_wait3A_49] : memref<10240x128xf32, #tpu.memory_space<hbm>> -> memref<640x128xf32, #tpu.memory_space<hbm>>
      %dma_wait3A_51 = arith.constant 0 : i32
      %dma_wait3A_52 = tpu.memref_slice %arg9[%mul3A_36, %dma_wait3A_51] : memref<10240x128xf32, #tpu.memory_space<vmem_shared>> -> memref<640x128xf32, #tpu.memory_space<vmem_shared>>
      tpu.wait_dma2 semaphore(%run_scoped3A : memref<!tpu.dma_semaphore, #tpu.memory_space<semaphore_mem>>) src(%dma_wait3A_52 : memref<640x128xf32, #tpu.memory_space<vmem_shared>>) dst(%dma_wait3A_50 : memref<640x128xf32, #tpu.memory_space<hbm>>)
      tpu.yield
    }) : () -> ()
    return
  }
}

module attributes {stable_mosaic.version = 14 : i64} {
  func.func @_dinv_kernel(%arg0: i32, %arg1: memref<2x2048x16xf32, #tpu.memory_space<vmem>>, %arg2: memref<2048x128xf32, #tpu.memory_space<vmem>>) attributes {dimension_semantics = [#tpu.dimension_semantics<arbitrary>], iteration_bounds = array<i64: 5>, scalar_prefetch = 0 : i64, scratch_operands = 0 : i64, tpu.core_type = #tpu.core_type<tc>, window_params = [{transform_indices = @transform_0, window_bounds = array<i64: 2, 2048, 16>}, {transform_indices = @transform_1, window_bounds = array<i64: 2048, 128>}]} {
    %get3A = arith.constant 0 : index
    %get3A_0 = arith.constant 0 : index
    %get3A_1 = arith.constant 0 : index
    %get3A_2 = vector.load %arg1[%get3A, %get3A_0, %get3A_1] : memref<2x2048x16xf32, #tpu.memory_space<vmem>>, vector<1x2048x16xf32>
    %get3A_3 = vector.shape_cast %get3A_2 : vector<1x2048x16xf32> to vector<2048x16xf32>
    %get3A_4 = arith.constant 1 : index
    %get3A_5 = arith.constant 0 : index
    %get3A_6 = arith.constant 0 : index
    %get3A_7 = vector.load %arg1[%get3A_4, %get3A_5, %get3A_6] : memref<2x2048x16xf32, #tpu.memory_space<vmem>>, vector<1x2048x16xf32>
    %get3A_8 = vector.shape_cast %get3A_7 : vector<1x2048x16xf32> to vector<2048x16xf32>
    %add3A = arith.addf %get3A_3, %get3A_8 : vector<2048x16xf32>
    %reduce_sum3A = arith.constant dense<0.000000e+00> : vector<2048xf32>
    %reduce_sum3A_9 = vector.multi_reduction <add>, %add3A, %reduce_sum3A [1] : vector<2048x16xf32> to vector<2048xf32>
    %broadcast_in_dim3A = vector.shape_cast %reduce_sum3A_9 : vector<2048xf32> to vector<2048x1xf32>
    %add3A_10 = arith.constant 1.000000e+00 : f32
    %add3A_11 = vector.broadcast %add3A_10 : f32 to vector<2048x1xf32>
    %add3A_12 = arith.addf %broadcast_in_dim3A, %add3A_11 : vector<2048x1xf32>
    %rsqrt3A = math.rsqrt %add3A_12 : vector<2048x1xf32>
    %broadcast_in_dim3A_13 = vector.shape_cast %rsqrt3A : vector<2048x1xf32> to vector<2048x1xf32>
    %broadcast_in_dim3A_14 = vector.broadcast %broadcast_in_dim3A_13 : vector<2048x1xf32> to vector<2048x128xf32>
    %swap3A = arith.constant 0 : index
    %swap3A_15 = arith.constant 0 : index
    %swap3A_16 = vector.load %arg2[%swap3A, %swap3A_15] : memref<2048x128xf32, #tpu.memory_space<vmem>>, vector<2048x128xf32>
    tpu.vector_store %arg2[%swap3A, %swap3A_15], %broadcast_in_dim3A_14 {strides = array<i32>} : memref<2048x128xf32, #tpu.memory_space<vmem>>, vector<2048x128xf32>,
    return
  }
  func.func @transform_0(%arg0: i32) -> (i32, i32, i32) {
    %c0_i32 = arith.constant 0 : i32
    %c0_i32_0 = arith.constant 0 : i32
    %c0_i32_1 = arith.constant 0 : i32
    return %c0_i32, %arg0, %c0_i32_0 : i32, i32, i32
  }
  func.func @transform_1(%arg0: i32) -> (i32, i32) {
    %c0_i32 = arith.constant 0 : i32
    %c0_i32_0 = arith.constant 0 : i32
    return %arg0, %c0_i32 : i32, i32
  }
}

module attributes {stable_mosaic.version = 14 : i64} {
  func.func @_mm1_kernel(%arg0: i32, %arg1: i32, %arg2: memref<2048x256xf32, #tpu.memory_space<vmem>>, %arg3: memref<256x128xf32, #tpu.memory_space<vmem>>, %arg4: memref<2048x128xf32, #tpu.memory_space<vmem>>, %arg5: memref<1x2048x128xf32, #tpu.memory_space<vmem>>) attributes {dimension_semantics = [#tpu.dimension_semantics<arbitrary>, #tpu.dimension_semantics<arbitrary>], iteration_bounds = array<i64: 4, 5>, scalar_prefetch = 0 : i64, scratch_operands = 0 : i64, tpu.core_type = #tpu.core_type<tc>, window_params = [{transform_indices = @transform_0, window_bounds = array<i64: 2048, 256>}, {transform_indices = @transform_1, window_bounds = array<i64: 256, 128>}, {transform_indices = @transform_2, window_bounds = array<i64: 2048, 128>}, {transform_indices = @transform_3, window_bounds = array<i64: 1, 2048, 128>}]} {
    %get3A = arith.constant 0 : index
    %get3A_0 = arith.constant 0 : index
    %get3A_1 = vector.load %arg2[%get3A, %get3A_0] : memref<2048x256xf32, #tpu.memory_space<vmem>>, vector<2048x256xf32>
    %get3A_2 = arith.constant 0 : index
    %get3A_3 = arith.constant 0 : index
    %get3A_4 = vector.load %arg4[%get3A_2, %get3A_3] : memref<2048x128xf32, #tpu.memory_space<vmem>>, vector<2048x128xf32>
    %slice3A = vector.extract_strided_slice %get3A_4 {offsets = [0, 0], sizes = [2048, 1], strides = [1, 1]} : vector<2048x128xf32> to vector<2048x1xf32>
    %mul3A = vector.broadcast %slice3A : vector<2048x1xf32> to vector<2048x256xf32>
    %mul3A_5 = arith.mulf %get3A_1, %mul3A : vector<2048x256xf32>
    %get3A_6 = arith.constant 0 : index
    %get3A_7 = arith.constant 0 : index
    %get3A_8 = vector.load %arg3[%get3A_6, %get3A_7] : memref<256x128xf32, #tpu.memory_space<vmem>>, vector<256x128xf32>
    %dot_general3A = arith.constant dense<0.000000e+00> : vector<2048x128xf32>
    %dot_general3A_9 = tpu.matmul %mul3A_5, %get3A_8, %dot_general3A {dimension_numbers = #tpu.dot_dimension_numbers<[1], [0], [0], [1], [0, 0, 1, 1], [], []>, transpose_lhs_hint = false} : vector<2048x256xf32>, vector<256x128xf32>, vector<2048x128xf32> -> vector<2048x128xf32>
    %swap3A = arith.constant 0 : index
    %swap3A_10 = arith.constant 0 : index
    %swap3A_11 = arith.constant 0 : index
    %swap3A_12 = vector.load %arg5[%swap3A, %swap3A_10, %swap3A_11] : memref<1x2048x128xf32, #tpu.memory_space<vmem>>, vector<1x2048x128xf32>
    %swap3A_13 = vector.shape_cast %swap3A_12 : vector<1x2048x128xf32> to vector<2048x128xf32>
    %swap3A_14 = vector.shape_cast %dot_general3A_9 : vector<2048x128xf32> to vector<1x2048x128xf32>
    tpu.vector_store %arg5[%swap3A, %swap3A_10, %swap3A_11], %swap3A_14 {strides = array<i32>} : memref<1x2048x128xf32, #tpu.memory_space<vmem>>, vector<1x2048x128xf32>,
    return
  }
  func.func @transform_0(%arg0: i32, %arg1: i32) -> (i32, i32) {
    %c0_i32 = arith.constant 0 : i32
    %c0_i32_0 = arith.constant 0 : i32
    return %arg1, %c0_i32 : i32, i32
  }
  func.func @transform_1(%arg0: i32, %arg1: i32) -> (i32, i32) {
    %c0_i32 = arith.constant 0 : i32
    %c0_i32_0 = arith.constant 0 : i32
    return %c0_i32, %arg0 : i32, i32
  }
  func.func @transform_2(%arg0: i32, %arg1: i32) -> (i32, i32) {
    %c0_i32 = arith.constant 0 : i32
    %c0_i32_0 = arith.constant 0 : i32
    return %arg1, %c0_i32 : i32, i32
  }
  func.func @transform_3(%arg0: i32, %arg1: i32) -> (i32, i32, i32) {
    %c0_i32 = arith.constant 0 : i32
    %c0_i32_0 = arith.constant 0 : i32
    return %arg0, %arg1, %c0_i32 : i32, i32, i32
  }
}

module attributes {stable_mosaic.version = 14 : i64} {
  func.func @_mm2_kernel(%arg0: i32, %arg1: i32, %arg2: i32, %arg3: memref<1x2048x128xf32, #tpu.memory_space<vmem>>, %arg4: memref<128x128xf32, #tpu.memory_space<vmem>>, %arg5: memref<1x1x128xf32, #tpu.memory_space<vmem>>, %arg6: memref<2048x128xf32, #tpu.memory_space<vmem>>, %arg7: memref<1x2048x128xf32, #tpu.memory_space<vmem>>) attributes {dimension_semantics = [#tpu.dimension_semantics<arbitrary>, #tpu.dimension_semantics<arbitrary>, #tpu.dimension_semantics<arbitrary>], iteration_bounds = array<i64: 2, 5, 4>, scalar_prefetch = 0 : i64, scratch_operands = 0 : i64, tpu.core_type = #tpu.core_type<tc>, window_params = [{transform_indices = @transform_0, window_bounds = array<i64: 1, 2048, 128>}, {transform_indices = @transform_1, window_bounds = array<i64: 128, 128>}, {transform_indices = @transform_2, window_bounds = array<i64: 1, 1, 128>}, {transform_indices = @transform_3, window_bounds = array<i64: 2048, 128>}, {transform_indices = @transform_4, window_bounds = array<i64: 1, 2048, 128>}]} {
    %get3A = arith.constant 0 : index
    %get3A_0 = arith.constant 0 : index
    %get3A_1 = vector.load %arg6[%get3A, %get3A_0] : memref<2048x128xf32, #tpu.memory_space<vmem>>, vector<2048x128xf32>
    %slice3A = vector.extract_strided_slice %get3A_1 {offsets = [0, 0], sizes = [2048, 1], strides = [1, 1]} : vector<2048x128xf32> to vector<2048x1xf32>
    %get3A_2 = arith.constant 0 : index
    %get3A_3 = arith.constant 0 : index
    %get3A_4 = arith.constant 0 : index
    %get3A_5 = vector.load %arg3[%get3A_2, %get3A_3, %get3A_4] : memref<1x2048x128xf32, #tpu.memory_space<vmem>>, vector<1x2048x128xf32>
    %get3A_6 = vector.shape_cast %get3A_5 : vector<1x2048x128xf32> to vector<2048x128xf32>
    %mul3A = vector.broadcast %slice3A : vector<2048x1xf32> to vector<2048x128xf32>
    %mul3A_7 = arith.mulf %get3A_6, %mul3A : vector<2048x128xf32>
    %get3A_8 = arith.constant 0 : index
    %get3A_9 = arith.constant 0 : index
    %get3A_10 = arith.constant 0 : index
    %get3A_11 = vector.load %arg5[%get3A_8, %get3A_9, %get3A_10] : memref<1x1x128xf32, #tpu.memory_space<vmem>>, vector<1x1x128xf32>
    %get3A_12 = vector.shape_cast %get3A_11 : vector<1x1x128xf32> to vector<1x128xf32>
    %add3A = vector.broadcast %get3A_12 : vector<1x128xf32> to vector<2048x128xf32>
    %add3A_13 = arith.addf %mul3A_7, %add3A : vector<2048x128xf32>
    %max3A = arith.constant 0.000000e+00 : f32
    %max3A_14 = vector.broadcast %max3A : f32 to vector<2048x128xf32>
    %max3A_15 = arith.maximumf %add3A_13, %max3A_14 : vector<2048x128xf32>
    %mul3A_16 = vector.broadcast %slice3A : vector<2048x1xf32> to vector<2048x128xf32>
    %mul3A_17 = arith.mulf %max3A_15, %mul3A_16 : vector<2048x128xf32>
    %get3A_18 = arith.constant 0 : index
    %get3A_19 = arith.constant 0 : index
    %get3A_20 = vector.load %arg4[%get3A_18, %get3A_19] : memref<128x128xf32, #tpu.memory_space<vmem>>, vector<128x128xf32>
    %dot_general3A = arith.constant dense<0.000000e+00> : vector<2048x128xf32>
    %dot_general3A_21 = tpu.matmul %mul3A_17, %get3A_20, %dot_general3A {dimension_numbers = #tpu.dot_dimension_numbers<[1], [0], [0], [1], [0, 0, 1, 1], [], []>, transpose_lhs_hint = false} : vector<2048x128xf32>, vector<128x128xf32>, vector<2048x128xf32> -> vector<2048x128xf32>
    %eq3A = arith.constant 0 : i32
    %eq3A_22 = arith.cmpi eq, %arg2, %eq3A : i32
    %convert_element_type3A = arith.extui %eq3A_22 : i1 to i32
    %cond3A = arith.constant 0 : i32
    %cond3A_23 = arith.cmpi ne, %convert_element_type3A, %cond3A : i32
    scf.if %cond3A_23 {
      %swap3A = arith.constant 0 : index
      %swap3A_28 = arith.constant 0 : index
      %swap3A_29 = arith.constant 0 : index
      %swap3A_30 = vector.load %arg7[%swap3A, %swap3A_28, %swap3A_29] : memref<1x2048x128xf32, #tpu.memory_space<vmem>>, vector<1x2048x128xf32>
      %swap3A_31 = vector.shape_cast %swap3A_30 : vector<1x2048x128xf32> to vector<2048x128xf32>
      %swap3A_32 = vector.shape_cast %dot_general3A_21 : vector<2048x128xf32> to vector<1x2048x128xf32>
      tpu.vector_store %arg7[%swap3A, %swap3A_28, %swap3A_29], %swap3A_32 {strides = array<i32>} : memref<1x2048x128xf32, #tpu.memory_space<vmem>>, vector<1x2048x128xf32>,
    } else {
    }
    %ne3A = arith.constant 0 : i32
    %ne3A_24 = arith.cmpi ne, %arg2, %ne3A : i32
    %convert_element_type3A_25 = arith.extui %ne3A_24 : i1 to i32
    %cond3A_26 = arith.constant 0 : i32
    %cond3A_27 = arith.cmpi ne, %convert_element_type3A_25, %cond3A_26 : i32
    scf.if %cond3A_27 {
      %get3A_28 = arith.constant 0 : index
      %get3A_29 = arith.constant 0 : index
      %get3A_30 = arith.constant 0 : index
      %get3A_31 = vector.load %arg7[%get3A_28, %get3A_29, %get3A_30] : memref<1x2048x128xf32, #tpu.memory_space<vmem>>, vector<1x2048x128xf32>
      %get3A_32 = vector.shape_cast %get3A_31 : vector<1x2048x128xf32> to vector<2048x128xf32>
      %add3A_33 = arith.addf %get3A_32, %dot_general3A_21 : vector<2048x128xf32>
      %swap3A = arith.constant 0 : index
      %swap3A_34 = arith.constant 0 : index
      %swap3A_35 = arith.constant 0 : index
      %swap3A_36 = vector.load %arg7[%swap3A, %swap3A_34, %swap3A_35] : memref<1x2048x128xf32, #tpu.memory_space<vmem>>, vector<1x2048x128xf32>
      %swap3A_37 = vector.shape_cast %swap3A_36 : vector<1x2048x128xf32> to vector<2048x128xf32>
      %swap3A_38 = vector.shape_cast %add3A_33 : vector<2048x128xf32> to vector<1x2048x128xf32>
      tpu.vector_store %arg7[%swap3A, %swap3A_34, %swap3A_35], %swap3A_38 {strides = array<i32>} : memref<1x2048x128xf32, #tpu.memory_space<vmem>>, vector<1x2048x128xf32>,
    } else {
    }
    return
  }
  func.func @transform_0(%arg0: i32, %arg1: i32, %arg2: i32) -> (i32, i32, i32) {
    %c0_i32 = arith.constant 0 : i32
    %c0_i32_0 = arith.constant 0 : i32
    return %arg2, %arg1, %c0_i32 : i32, i32, i32
  }
  func.func @transform_1(%arg0: i32, %arg1: i32, %arg2: i32) -> (i32, i32) {
    %c0_i32 = arith.constant 0 : i32
    return %arg2, %arg0 : i32, i32
  }
  func.func @transform_2(%arg0: i32, %arg1: i32, %arg2: i32) -> (i32, i32, i32) {
    %c0_i32 = arith.constant 0 : i32
    %c0_i32_0 = arith.constant 0 : i32
    %c0_i32_1 = arith.constant 0 : i32
    return %arg2, %c0_i32, %c0_i32_0 : i32, i32, i32
  }
  func.func @transform_3(%arg0: i32, %arg1: i32, %arg2: i32) -> (i32, i32) {
    %c0_i32 = arith.constant 0 : i32
    %c0_i32_0 = arith.constant 0 : i32
    return %arg1, %c0_i32 : i32, i32
  }
  func.func @transform_4(%arg0: i32, %arg1: i32, %arg2: i32) -> (i32, i32, i32) {
    %c0_i32 = arith.constant 0 : i32
    %c0_i32_0 = arith.constant 0 : i32
    return %arg0, %arg1, %c0_i32 : i32, i32, i32
  }
}

module attributes {stable_mosaic.version = 14 : i64} {
  func.func @_final_kernel(%arg0: i32, %arg1: i32, %arg2: memref<1x2000x128xf32, #tpu.memory_space<vmem>>, %arg3: memref<1x1x128xf32, #tpu.memory_space<vmem>>, %arg4: memref<2000x128xf32, #tpu.memory_space<vmem>>, %arg5: memref<2000x128xf32, #tpu.memory_space<vmem>>) attributes {dimension_semantics = [#tpu.dimension_semantics<arbitrary>, #tpu.dimension_semantics<arbitrary>], iteration_bounds = array<i64: 2, 5>, scalar_prefetch = 0 : i64, scratch_operands = 0 : i64, tpu.core_type = #tpu.core_type<tc>, window_params = [{transform_indices = @transform_0, window_bounds = array<i64: 1, 2000, 128>}, {transform_indices = @transform_1, window_bounds = array<i64: 1, 1, 128>}, {transform_indices = @transform_2, window_bounds = array<i64: 2000, 128>}, {transform_indices = @transform_3, window_bounds = array<i64: 2000, 128>}]} {
    %get3A = arith.constant 0 : index
    %get3A_0 = arith.constant 0 : index
    %get3A_1 = arith.constant 0 : index
    %get3A_2 = vector.load %arg2[%get3A, %get3A_0, %get3A_1] : memref<1x2000x128xf32, #tpu.memory_space<vmem>>, vector<1x2000x128xf32>
    %get3A_3 = vector.shape_cast %get3A_2 : vector<1x2000x128xf32> to vector<2000x128xf32>
    %get3A_4 = arith.constant 0 : index
    %get3A_5 = arith.constant 0 : index
    %get3A_6 = vector.load %arg4[%get3A_4, %get3A_5] : memref<2000x128xf32, #tpu.memory_space<vmem>>, vector<2000x128xf32>
    %slice3A = vector.extract_strided_slice %get3A_6 {offsets = [0, 0], sizes = [2000, 1], strides = [1, 1]} : vector<2000x128xf32> to vector<2000x1xf32>
    %mul3A = vector.broadcast %slice3A : vector<2000x1xf32> to vector<2000x128xf32>
    %mul3A_7 = arith.mulf %get3A_3, %mul3A : vector<2000x128xf32>
    %get3A_8 = arith.constant 0 : index
    %get3A_9 = arith.constant 0 : index
    %get3A_10 = arith.constant 0 : index
    %get3A_11 = vector.load %arg3[%get3A_8, %get3A_9, %get3A_10] : memref<1x1x128xf32, #tpu.memory_space<vmem>>, vector<1x1x128xf32>
    %get3A_12 = vector.shape_cast %get3A_11 : vector<1x1x128xf32> to vector<1x128xf32>
    %add3A = vector.broadcast %get3A_12 : vector<1x128xf32> to vector<2000x128xf32>
    %add3A_13 = arith.addf %mul3A_7, %add3A : vector<2000x128xf32>
    %swap3A = arith.constant 0 : index
    %swap3A_14 = arith.constant 0 : index
    %swap3A_15 = vector.load %arg5[%swap3A, %swap3A_14] : memref<2000x128xf32, #tpu.memory_space<vmem>>, vector<2000x128xf32>
    tpu.vector_store %arg5[%swap3A, %swap3A_14], %add3A_13 {strides = array<i32>} : memref<2000x128xf32, #tpu.memory_space<vmem>>, vector<2000x128xf32>,
    return
  }
  func.func @transform_0(%arg0: i32, %arg1: i32) -> (i32, i32, i32) {
    %c0_i32 = arith.constant 0 : i32
    %c0_i32_0 = arith.constant 0 : i32
    return %arg0, %arg1, %c0_i32 : i32, i32, i32
  }
  func.func @transform_1(%arg0: i32, %arg1: i32) -> (i32, i32, i32) {
    %c0_i32 = arith.constant 0 : i32
    %c0_i32_0 = arith.constant 0 : i32
    %c0_i32_1 = arith.constant 0 : i32
    return %arg0, %c0_i32, %c0_i32_0 : i32, i32, i32
  }
  func.func @transform_2(%arg0: i32, %arg1: i32) -> (i32, i32) {
    %c0_i32 = arith.constant 0 : i32
    %c0_i32_0 = arith.constant 0 : i32
    return %arg1, %c0_i32 : i32, i32
  }
  func.func @transform_3(%arg0: i32, %arg1: i32) -> (i32, i32) {
    %c0_i32 = arith.constant 0 : i32
    return %arg1, %arg0 : i32, i32
  }
}

</mosaic_0001>

<sc_bundles>
// kernel: kernel.12.cloned.1.call-start
scs
__scs_entry_jumppad:
0x0: {  	(pc) =	sbr.rel $0x88, $3  }
0x1: {  	(tag) =	ssettag $0x0;
	lr =	simm.s32 $0x1  }
0x2: {  	[smem:$0x3F9B] =	sst lr;
	_ =	strace $0xD0000000  }
0x3: {  	_ = 	snop  }
0x4: {  	_ = 	snop  }
0x5: {  	_ = 	snop  }
0x6: {  	_ = 	snop  }
0x7: {  	_ = 	snop  }
__scs_overlays_trampoline_lowered:
0x8: {  	[smem:$0x3FAA] =	sst s0  }
0x9: {  	[smem:$0x3FAB] =	sst s1  }
0xa: {  	[smem:$0x3FAC] =	sst s2  }
0xb: {  	[smem:$0x3FAD] =	sst s3  }
0xc: {  	[smem:$0x3FAE] =	sst s4  }
0xd: {  	[smem:$0x3FAF] =	sst s5  }
0xe: {  	[smem:$0x3FB0] =	sst s6  }
0xf: {  	[smem:$0x3FB1] =	sst s7  }
0x10: {  	[smem:$0x3FB2] =	sst s8  }
0x11: {  	[smem:$0x3FB3] =	sst s9;
	s0 =	simm.s32 @!p0 $0x0  }
0x12: {  	s1 =	sld [smem:$0x3F99];
	s0 =	simm.s32 @p0 $0x1  }
0x13: {  	[smem:$0x3FB4] =	sst s0;
	s0 =	simm.s32 @!p1 $0x0  }
0x14: {  	s2 =	sld [smem:$0x3F98];
	s0 =	simm.s32 @p1 $0x1  }
0x15: {  	[smem:$0x3FB5] =	sst s0;
	s0 =	simm.s32 @!p2 $0x0  }
0x16: {  	s3 =	sld [smem:$0x3FDB];
	s0 =	simm.s32 @p2 $0x1  }
0x17: {  	s4 =	simm.s32 $0x1BF5;
	[smem:$0x3FB7] =	sst s0  }
0x18: {  	s0 =	sld [smem:$0x3F9A];
	_ =	swait.ge [sflag:s4], $0x0  }
0x19: {  	s7 =	sld [smem:$0x3F9B]  }
0x1a: {  	s8 =	sadd.s32 $0xFFFFE003, lr  }
0x1b: {  	s9 =	sadd.s32 $0xFFFFFEF7, lr;
	s5 =	simm.s32 $0xFFFFFFFF;
	p2 =	slt.u32 s8, $0xFFFFF086  }
0x1c: {  	p1 =	slt.u32 s9, $0xF7A;
	s5 =	simm.s32 @!p2 $0x0  }
0x1d: {  	s5 =	simm.s32 @p1 $0x1;
	p0 =	seq.s32 s7, s2  }
0x1e: {  	s7 =	smul.u32 @!p0 $0xF7A, s2;
	p2 =	seq.s32 @!p0 s5, $0x0  }
0x1f: {  	s9 =	smul.u32 $0xF7A, s1;
	s8 =	simm.s32 @!p0 $0x1BF5;
	p2 =	por !p2, p0  }
0x20: {  	[sflag:s8] =	ssyncset.s32 @!p0 $0xFFFFF086;
	s6 =	sadd.s32 @!p0 s3, s7;
	s7 =	simm.s32 @!p0 $0x108  }
0x21: {  	s3 =	sadd.s32 s3, s9;
	s6 =	sadd.s32 @!p0 $0x88, s6;
	s7 =	simm.s32 @p2 $0x1082  }
0x22: {  	[simem:s7], [sflag:s8] =	dma.local @!p0 [hbm:s6], $0xF7A  }
0x23: {  	s9 =	sor.u32 $0xD0000000, s2;
	s6 =	simm.s32 $0x108;
	_ =	swait.ge @!p0 [sflag:s8], $0x0  }
0x24: {  	s3 =	sadd.s32 $0x88, s3;
	s6 =	simm.s32 @!p1 $0x1082;
	[sflag:s4] =	ssyncset.s32 $0xFFFFF086  }
0x25: {  	[simem:s6], [sflag:s4] =	dma.local [hbm:s3], $0xF7A  }
0x26: {  	[smem:$0x3F9B] =	sst s1;
	(tag) =	ssettag s2;
	_ =	strace s9  }
0x27: {  	s1 =	sld [smem:$0x3FAB]  }
0x28: {  	s2 =	sld [smem:$0x3FAC]  }
0x29: {  	s4 =	sld [smem:$0x3FAE]  }
0x2a: {  	p0 =	seq.s32 s5, $0x0;
	s5 =	sld [smem:$0x3FAF]  }
0x2b: {  	s6 =	sld [smem:$0x3FB0]  }
0x2c: {  	s7 =	sld [smem:$0x3FB1]  }
0x2d: {  	s3 =	simm.s32 $0x108;
	s8 =	sld [smem:$0x3FB2]  }
0x2e: {  	s3 =	simm.s32 @!p0 $0x1082;
	s9 =	sld [smem:$0x3FB3]  }
0x2f: {  	lr =	sadd.s32 s0, s3;
	s0 =	sld [smem:$0x3FAA]  }
0x30: {  	s3 =	sld [smem:$0x3FAD]  }
0x31: {  	[smem:$0x3FB6] =	sst s10  }
0x32: {  	s10 =	sld [smem:$0x3FB4];
	_ =	sdelay $0x3  }
0x33: {  	p0 =	seq.s32 s10, $0x1;
	s10 =	sld [smem:$0x3FB6];
	_ =	sdelay $0x3  }
0x34: {  	[smem:$0x3FB6] =	sst s10  }
0x35: {  	s10 =	sld [smem:$0x3FB5];
	_ =	sdelay $0x3  }
0x36: {  	p1 =	seq.s32 s10, $0x1;
	s10 =	sld [smem:$0x3FB6];
	_ =	sdelay $0x3  }
0x37: {  	[smem:$0x3FB6] =	sst s10  }
0x38: {  	s10 =	sld [smem:$0x3FB7]  }
0x39: {  	_ = 	snop;
	(pc) =	sbr.ind lr, $3  }
0x3a: {  	_ = 	snop  }
0x3b: {  	_ = 	snop  }
0x3c: {  	p2 =	seq.s32 s10, $0x1;
	s10 =	sld [smem:$0x3FB6]  }
0x3d: {  	_ =	shalt  }
0x3e: {  	_ =	shalt  }
0x3f: {  	_ =	shalt  }
0x40: {  	_ =	shalt  }
0x41: {  	_ =	shalt  }
0x42: {  	_ =	shalt  }
0x43: {  	_ =	shalt  }
0x44: {  	_ =	shalt  }
0x45: {  	_ =	shalt  }
0x46: {  	_ =	shalt  }
0x47: {  	_ =	shalt  }
0x48: {  	_ =	shalt  }
0x49: {  	_ =	shalt  }
0x4a: {  	_ =	shalt  }
0x4b: {  	_ =	shalt  }
0x4c: {  	_ =	shalt  }
0x4d: {  	_ =	shalt  }
0x4e: {  	_ =	shalt  }
0x4f: {  	_ =	shalt  }
0x50: {  	_ =	shalt  }
0x51: {  	_ =	shalt  }
0x52: {  	_ =	shalt  }
0x53: {  	_ =	shalt  }
0x54: {  	_ =	shalt  }
0x55: {  	_ =	shalt  }
0x56: {  	_ =	shalt  }
0x57: {  	_ =	shalt  }
0x58: {  	_ =	shalt  }
0x59: {  	_ =	shalt  }
0x5a: {  	_ =	shalt  }
0x5b: {  	_ =	shalt  }
0x5c: {  	_ =	shalt  }
0x5d: {  	_ =	shalt  }
0x5e: {  	_ =	shalt  }
0x5f: {  	_ =	shalt  }
0x60: {  	_ =	shalt  }
0x61: {  	_ =	shalt  }
0x62: {  	_ =	shalt  }
0x63: {  	_ =	shalt  }
0x64: {  	_ =	shalt  }
0x65: {  	_ =	shalt  }
0x66: {  	_ =	shalt  }
0x67: {  	_ =	shalt  }
0x68: {  	_ =	shalt  }
0x69: {  	_ =	shalt  }
0x6a: {  	_ =	shalt  }
0x6b: {  	_ =	shalt  }
0x6c: {  	_ =	shalt  }
0x6d: {  	_ =	shalt  }
0x6e: {  	_ =	shalt  }
0x6f: {  	_ =	shalt  }
0x70: {  	_ =	shalt  }
0x71: {  	_ =	shalt  }
0x72: {  	_ =	shalt  }
0x73: {  	_ =	shalt  }
0x74: {  	_ =	shalt  }
0x75: {  	_ =	shalt  }
0x76: {  	_ =	shalt  }
0x77: {  	_ =	shalt  }
0x78: {  	_ =	shalt  }
0x79: {  	_ =	shalt  }
0x7a: {  	_ =	shalt  }
0x7b: {  	_ =	shalt  }
0x7c: {  	_ =	shalt  }
0x7d: {  	_ =	shalt  }
0x7e: {  	_ =	shalt  }
0x7f: {  	_ =	shalt  }
0x80: {  	_ =	shalt  }
0x81: {  	_ =	shalt  }
0x82: {  	_ =	shalt  }
0x83: {  	_ =	shalt  }
0x84: {  	_ =	shalt  }
0x85: {  	_ =	shalt  }
0x86: {  	_ =	shalt  }
0x87: {  	_ =	shalt  }
.Lfunc_end0:
.L_simem_size_0:
called_computation.1_lowered:
.L_overlay_start_0:
0x88: {  	s2 =	sld [smem:$0x3FD9]  }
0x89: {  	s3 =	sld [smem:$0x3FFE];
	_ =	sdelay $0x1  }
0x8a: {  	s1 =	srdreg.scid  }
0x8b: {  	s0 =	sand.u32 $0x1, s1  }
0x8c: {  	s17 =	sshll.u32 s0, $0xA;
	s2 =	sadd.s32 s3, s2  }
0x8d: {  	s2 =	sadd.s32 s2, s17  }
0x8e: {  	[smem:$0x3FC2] =	sst s2  }
0x8f: {  	_ = 	snop  }
0x90: {  	s2 =	sld [smem:$0x3FD0];
	(tm) =	ssettm $0x1  }
0x91: {  	s18 =	sld [smem:$0x3FFB];
	_ =	sdelay $0x3  }
0x92: {  	_ =	strace s18  }
0x93: {  	s3 =	sld [smem:$0x3FFC];
	_ =	sdelay $0x3  }
0x94: {  	_ =	strace s3  }
0x95: {  	s3 =	sld [smem:$0x3FFD];
	_ =	sdelay $0x3  }
0x96: {  	_ =	strace s3  }
0x97: {  	_ =	strace $0x8FFFFFFF  }
0x98: {  	s19 =	sld [smem:$0x3FDB];
	_ =	sdelay $0x1  }
0x99: {  	s4 =	simm.s32 $_scs_section_size  }
0x9a: {  	s5 =	simm.s32 $_size__tile_overlayer_lowered;
	s6 =	simm.s32 $_tile_overlayer_lowered  }
0x9b: {  	s22 =	simm.s32 $0x1BFF;
	s21 =	sshll.u32 s6, $0x1;
	s3 =	sadd.s32 s4, s19  }
0x9c: {  	s7 =	simm.s32 $0x0;
	s20 =	sshll.u32 s5, $0x1;
	s5 =	sadd.s32 s21, s3  }
0x9d: {  	[timem:s7], [sflag:s22] =	dma.local [hbm:s5], s20  }
0x9e: {  	_ =	swait.ge [sflag:s22], s20  }
0x9f: {  	s4 =	ssub.s32 $0x0, s20;
	[sflag:s22] =	ssyncset.done $0x0  }
0xa0: {  	[sflag:s22] =	ssyncadd.s32 s4;
	_ =	sdelay $0x1  }
0xa1: {  	s23 =	simm.s32 $0x1B8B  }
0xa2: {  	_ =	swait.ge [sflag:s23], $0x1  }
0xa3: {  	[sflag:s23] =	ssyncset.done $0x0  }
0xa4: {  	s25 =	simm.s32 $0x1B8E;
	s24 =	sld [smem:$0x3FFE];
	[sflag:s23] =	ssyncadd.s32 $0xFFFFFFFF  }
0xa5: {  	s26 =	simm.s32 $execute0_lowered;
	[smem:$0x3FD2] =	sst s25  }
0xa6: {  	s5 =	sshll.u32 s26, $0x1;
	_ =	strace $0x80000049;
	[dreg:$0x1] =	wrdreg $0xFFFFFFFF  }
0xa7: {  	s28 =	simm.s32 $_size_execute0_lowered;
	s3 =	sadd.s32 s3, s5;
	[dreg:$0x0] =	wrdreg $0x0  }
0xa8: {  	s5 =	sshll.u32 s28, $0x1;
	[dreg:$0x2] =	wrdreg s3  }
0xa9: {  	[dreg:$0x3] =	wrdreg s5  }
0xaa: {  	[dreg:$0x4] =	wrdreg $0xC0  }
0xab: {  	_ =	task [dreg:s7], $0x5FFFF  }
0xac: {  	[dreg:$0x1] =	wrdreg $0xFFFFFFFF  }
0xad: {  	[dreg:$0x0] =	wrdreg $0x60  }
0xae: {  	[dreg:$0x2] =	wrdreg s24  }
0xaf: {  	[dreg:$0x3] =	wrdreg s2  }
0xb0: {  	[dreg:$0x4] =	wrdreg $0x90000  }
0xb1: {  	[dreg:$0x5] =	wrdreg $0x9  }
0xb2: {  	_ =	task.clear_ibuf [dreg:s7], $0x6FFFF;
	_ =	strace $0x90000049  }
0xb3: {  	s29 =	simm.s32 $0x9;
	_ =	strace $0x8000004B  }
0xb4: {  	_ =	swait.ge [sflag:s29], $0x1  }
0xb5: {  	[sflag:s29] =	ssyncadd.s32 $0xFFFFFFFF  }
0xb6: {  	_ =	strace $0x9000004B  }
0xb7: {  	_ =	sfence  }
0xb8: {  	s30 =	sld [smem:$0x0];
	_ =	sdelay $0x2  }
0xb9: {  	s31 =	sshll.u32 s1, $0xD;
	s1 =	sshrl.u32 s1, $0x2  }
0xba: {  	s3 =	sand.u32 $0x4000, s31;
	s1 =	sadd.s32 s1, s30  }
0xbb: {  	s0 =	sor.u32 s3, s0;
	s1 =	sshll.u32 s1, $0x11  }
0xbc: {  	s0 =	sor.u32 s1, s0  }
0xbd: {  	s0 =	sadd.s32 $0x8F2B, s0  }
0xbe: {  	[sflag:s0] =	ssyncadd.remote.s32 $0x1  }
0xbf: {  	_ =	sfence.sel $0xFFFF  }
0xc0: {  	[dreg:$0x0] =	wrdreg $0xFFFFFFFF;
	(pc) =	sbr.abs _section_cstart, $3  }
0xc1: {  	[dreg:$0x1] =	wrdreg $0xFFFFFFFF  }
0xc2: {  	_ =	task.clear_ibuf [dreg:s7], $0x2FFFF;
	_ =	strace $0x9FFFFFFF  }
0xc3: {  	(tm) =	ssettm $0x7FFFFFFF  }
tec
execute0_lowered:
.L_overlay_start_1:
0x0: {  	(tag) =	ssettag $0x1  }
0x1: {  	s4 =	rddreg [dreg:$0x0]  }
0x2: {  	s5 =	rddreg [dreg:$0x1]  }
0x3: {  	s2 =	rddreg [dreg:$0x2]  }
0x4: {  	s0 =	rddreg [dreg:$0x3];
	s3 =	simm.s32 $0x0;
	s1 =	stileid.u32  }
0x5: {  	s7 =	srdreg.scid;
	s14 =	simm.s32 $0x80;
	s15 =	simm.s32 $0x5000  }
0x6: {  	s16 =	simm.s32 $0x1;
	[smem:$0x7FF] =	sst s3;
	s6 =	smul.u32 $0x500, s1  }
0x7: {  	s8 =	sadd.s32 $0x56E00, s4;
	s7 =	sand.u32 $0x1, s7;
	s11 =	smul.u32 $0x50000, s1  }
0x8: {  	s12 =	sadd.s32 $0xF6E00, s4;
	s19 =	smul.u32 $0x2800, s1;
	s31 =	sshll.u32 s1, $0x6  }
0x9: {  	_ =	strace $0x8000004A;
	s10 =	ssub.s32 $0x2, s7;
	s13 =	smul.u32 $0x280000, s7  }
0xa: {  	s7 =	smul.u32 $0x50000, s7;
	s9 =	sadd.s32 s6, s4;
	s26 =	sshrl.u32 s10, $0x1  }
0xb: {  	s5 =	sadd.s32 s5, s6;
	s28 =	sshrl.u32 s11, $0x2;
	s10 =	ssub.s32 s10, s26  }
0xc: {  	s4 =	sadd.s32 $0x51E00, s9;
	s29 =	sshrl.u32 s13, $0x3;
	s30 =	sadd.s32 s28, s2  }
0xd: {  	s6 =	sadd.s32 s8, s7;
	s17 =	sadd.s32 s12, s7;
	s9 =	sadd.s32 $0x28000, s29  }
0xe: {  	s11 =	sadd.s32 s19, s6;
	s13 =	sshrl.u32 s30, $0x3;
	s17 =	sadd.s32 s19, s17  }
0xf: {  	s7 =	sadd.s32 s8, s9;
	s20 =	sadd.s32 s12, s9;
	s8 =	smax.u32 s10, $0x1  }
0x10: {  	s9 =	simm.s32 $0x2;
	s10 =	simm.s32 $0x2800;
	s12 =	sor.u32 $0x1C02, s31  }
0x11: {  	s18 =	sadd.s32 s19, s7;
	s19 =	sadd.s32 s19, s20;
	s20 =	simm.s32 $0x0  }
.LBB2_1:
0x12: {  	[tilespmem:s3], [sflag:$0x2] =	stream.linear.gather [hbm4b:s4+s3], $0x2800, $0x38;
	[tilespmem:$0x1D000] =	vst v63  }
0x13: {  	_ =	swait.ge [sflag:s9], $0x2800  }
0x14: {  	[sflag:s9] =	ssyncset.done $0x0  }
0x15: {  	[sflag:s9] =	ssyncadd.s32 $0xFFFFD800  }
0x16: {  	[tilespmem:s10], [sflag:$0x2] =	stream.linear.gather [hbm4b:s5+s3], $0x2800, $0x38;
	[tilespmem:$0x1D000] =	vst v63  }
0x17: {  	_ =	swait.ge [sflag:s9], $0x2800  }
0x18: {  	[sflag:s9] =	ssyncset.done $0x0  }
0x19: {  	[sflag:s9] =	ssyncadd.s32 $0xFFFFD800  }
0x1a: {  	[spmem:s13], [sflag:s12] =	dma.local [hbm:s11], $0x2800  }
0x1b: {  	_ =	swait.ge [sflag:s9], $0x2800  }
0x1c: {  	[sflag:s9] =	ssyncset.done $0x0  }
0x1d: {  	[sflag:s9] =	ssyncadd.s32 $0xFFFFD800  }
0x1e: {  	s21 =	simm.s32 $0x0;
	[bflag:$0x0] =	sbarrier.arrive $0xFFFF  }
0x1f: {  	[tilespmem:s15], [sflag:$0x1] =	stream.indirect.gather [hbm4b:s6+s14], $0x80, s21, s14, $0xb8;
	[tilespmem:$0x1D000] =	vst v63  }
0x20: {  	_ =	swait.ge [sflag:s16], $0x4000  }
0x21: {  	[sflag:s16] =	ssyncset.done $0x0  }
0x22: {  	s31 =	simm.s32 $0x2800;
	[sflag:s16] =	ssyncadd.s32 $0xFFFFC000  }
0x23: {  	[spmem:s2] =	stream.indirect.scatter.add.f32 [tilespmem:s15], [sflag:$0x2], $0x80, s31, s14, $0xb8;
	[tilespmem:$0x1D000] =	vst v63  }
0x24: {  	_ =	swait.ge [sflag:s9], $0x4000  }
0x25: {  	s22 =	simm.s32 $0x400;
	s21 =	simm.s32 $0x200;
	[sflag:s9] =	ssyncset.done $0x0  }
.LBB2_2:
0x26: {  	s23 =	sshra.s32 s21, $0x2  }
0x27: {  	[sflag:s9] =	ssyncadd.s32 $0xFFFFC000;
	s21 =	smov.u32 s22;
	s24 =	sadd.s32 $0x200, s22  }
0x28: {  	[tilespmem:s15], [sflag:$0x1] =	stream.indirect.gather [hbm4b:s6+s14], $0x80, s23, s14, $0xb8;
	[tilespmem:$0x1D000] =	vst v63  }
0x29: {  	p0 =	sne.s32 s22, $0x9E00;
	_ =	swait.ge [sflag:s16], $0x4000  }
.Ltmp0:
0x2a: {  	[sflag:s16] =	ssyncset.done $0x0;
	(pc) =	sbr.rel @p0 .LBB2_2-.Ltmp0, $4  }
0x2b: {  	s22 =	sadd.s32 $0x2800, s23;
	[sflag:s16] =	ssyncadd.s32 $0xFFFFC000  }
0x2c: {  	[spmem:s2] =	stream.indirect.scatter.add.f32 [tilespmem:s15], [sflag:$0x2], $0x80, s22, s14, $0xb8;
	[tilespmem:$0x1D000] =	vst v63  }
0x2d: {  	_ =	swait.ge [sflag:s9], $0x4000  }
0x2e: {  	s22 =	smov.u32 s24;
	[sflag:s9] =	ssyncset.done $0x0  }
0x2f: {  	s21 =	sshra.s32 s21, $0x2;
	[sflag:s9] =	ssyncadd.s32 $0xFFFFC000  }
0x30: {  	[tilespmem:s15], [sflag:$0x1] =	stream.indirect.gather [hbm4b:s6+s14], $0x80, s21, s14, $0xb8;
	[tilespmem:$0x1D000] =	vst v63  }
0x31: {  	_ =	swait.ge [sflag:s16], $0x4000  }
0x32: {  	[sflag:s16] =	ssyncset.done $0x0  }
0x33: {  	s21 =	sadd.s32 $0x2800, s21;
	[sflag:s16] =	ssyncadd.s32 $0xFFFFC000  }
0x34: {  	[spmem:s2] =	stream.indirect.scatter.add.f32 [tilespmem:s15], [sflag:$0x2], $0x80, s21, s14, $0xb8;
	[tilespmem:$0x1D000] =	vst v63  }
0x35: {  	_ =	swait.ge [sflag:s9], $0x4000  }
0x36: {  	[sflag:s9] =	ssyncset.done $0x0  }
0x37: {  	[sflag:s9] =	ssyncadd.s32 $0xFFFFC000  }
0x38: {  	[bflag:$0x0] =	sbarrier.arrive $0xFFFF  }
0x39: {  	[hbm:s17], [sflag:s12] =	dma.local [spmem:s13], $0x2800  }
0x3a: {  	_ =	swait.ge [sflag:s9], $0x2800  }
0x3b: {  	[sflag:s9] =	ssyncset.done $0x0  }
0x3c: {  	[sflag:s9] =	ssyncadd.s32 $0xFFFFD800  }
0x3d: {  	[bflag:$0x0] =	sbarrier.arrive $0xFFFF  }
0x3e: {  	[spmem:s13], [sflag:s12] =	dma.local [hbm:s18], $0x2800  }
0x3f: {  	_ =	swait.ge [sflag:s9], $0x2800  }
0x40: {  	[sflag:s9] =	ssyncset.done $0x0  }
0x41: {  	[sflag:s9] =	ssyncadd.s32 $0xFFFFD800  }
0x42: {  	s30 =	simm.s32 $0x0;
	[bflag:$0x0] =	sbarrier.arrive $0xFFFF  }
0x43: {  	[tilespmem:s15], [sflag:$0x1] =	stream.indirect.gather [hbm4b:s7+s14], $0x80, s30, s14, $0xb8;
	[tilespmem:$0x1D000] =	vst v63  }
0x44: {  	_ =	swait.ge [sflag:s16], $0x4000  }
0x45: {  	[sflag:s16] =	ssyncset.done $0x0  }
0x46: {  	s31 =	simm.s32 $0x2800;
	[sflag:s16] =	ssyncadd.s32 $0xFFFFC000  }
0x47: {  	[spmem:s2] =	stream.indirect.scatter.add.f32 [tilespmem:s15], [sflag:$0x2], $0x80, s31, s14, $0xb8;
	[tilespmem:$0x1D000] =	vst v63  }
0x48: {  	_ =	swait.ge [sflag:s9], $0x4000  }
0x49: {  	s22 =	simm.s32 $0x400;
	s21 =	simm.s32 $0x200;
	[sflag:s9] =	ssyncset.done $0x0  }
.LBB2_4:
0x4a: {  	s23 =	sshra.s32 s21, $0x2  }
0x4b: {  	[sflag:s9] =	ssyncadd.s32 $0xFFFFC000;
	s21 =	smov.u32 s22;
	s24 =	sadd.s32 $0x200, s22  }
0x4c: {  	[tilespmem:s15], [sflag:$0x1] =	stream.indirect.gather [hbm4b:s7+s14], $0x80, s23, s14, $0xb8;
	[tilespmem:$0x1D000] =	vst v63  }
0x4d: {  	p0 =	sne.s32 s22, $0x9E00;
	_ =	swait.ge [sflag:s16], $0x4000  }
.Ltmp1:
0x4e: {  	[sflag:s16] =	ssyncset.done $0x0;
	(pc) =	sbr.rel @p0 .LBB2_4-.Ltmp1, $4  }
0x4f: {  	s22 =	sadd.s32 $0x2800, s23;
	[sflag:s16] =	ssyncadd.s32 $0xFFFFC000  }
0x50: {  	[spmem:s2] =	stream.indirect.scatter.add.f32 [tilespmem:s15], [sflag:$0x2], $0x80, s22, s14, $0xb8;
	[tilespmem:$0x1D000] =	vst v63  }
0x51: {  	_ =	swait.ge [sflag:s9], $0x4000  }
0x52: {  	s22 =	smov.u32 s24;
	[sflag:s9] =	ssyncset.done $0x0  }
0x53: {  	s21 =	sshra.s32 s21, $0x2;
	[sflag:s9] =	ssyncadd.s32 $0xFFFFC000  }
0x54: {  	[tilespmem:s15], [sflag:$0x1] =	stream.indirect.gather [hbm4b:s7+s14], $0x80, s21, s14, $0xb8;
	[tilespmem:$0x1D000] =	vst v63  }
0x55: {  	_ =	swait.ge [sflag:s16], $0x4000  }
0x56: {  	[sflag:s16] =	ssyncset.done $0x0  }
0x57: {  	s21 =	sadd.s32 $0x2800, s21;
	[sflag:s16] =	ssyncadd.s32 $0xFFFFC000  }
0x58: {  	[spmem:s2] =	stream.indirect.scatter.add.f32 [tilespmem:s15], [sflag:$0x2], $0x80, s21, s14, $0xb8;
	[tilespmem:$0x1D000] =	vst v63  }
0x59: {  	_ =	swait.ge [sflag:s9], $0x4000  }
0x5a: {  	s20 =	sadd.s32 $0x1, s20;
	[sflag:s9] =	ssyncset.done $0x0  }
0x5b: {  	p0 =	sne.s32 s20, s8;
	[sflag:s9] =	ssyncadd.s32 $0xFFFFC000  }
.Ltmp2:
0x5c: {  	[bflag:$0x0] =	sbarrier.arrive $0xFFFF;
	(pc) =	sbr.rel @p0 .LBB2_1-.Ltmp2, $4  }
0x5d: {  	[hbm:s19], [sflag:s12] =	dma.local [spmem:s13], $0x2800  }
0x5e: {  	_ =	swait.ge [sflag:s9], $0x2800  }
0x5f: {  	[sflag:s9] =	ssyncset.done $0x0  }
0x60: {  	[sflag:s9] =	ssyncadd.s32 $0xFFFFD800  }
0x61: {  	_ =	sfence.sel $0x180000  }
0x62: {  	[bflag:$0x0] =	sbarrier.arrive $0xFFFF  }
0x63: {  	p0 =	sne.s32 s1, $0x0;
	_ =	strace $0x9000004A  }
0x64: {  	s0 =	sadd.s32 @!p0 $0x100000, s0;
	[bflag:$0x2] =	sbarrier.arrive $0xFFFF  }
0x65: {  	[sflag:s0] =	ssyncadd.tile.s32 @!p0 $0x1;
	_ =	shalt  }
.Lfunc_end2:
_tile_overlayer_lowered:
.L_overlay_start_2:
0x66: {  	(tag) =	ssettag $0x2  }
0x67: {  	s0 =	rddreg [dreg:$0x0];
	s2 =	stileid.u32  }
0x68: {  	s1 =	rddreg [dreg:$0x1];
	p0 =	sne.s32 s2, $0x0  }
0x69: {  	s3 =	rddreg [dreg:$0x2];
	[bflag:$0x3] =	sbarrier.arrive $0xFFFF;
	s2 =	simm.s32 @!p0 $0x1C02  }
0x6a: {  	[timem:s3], [sflag:s2] =	dma.local @!p0 [hbm:s0], s1  }
0x6b: {  	s0 =	simm.s32 @!p0 $0x2  }
0x6c: {  	_ =	swait.ge @!p0 [sflag:s0], s1  }
0x6d: {  	s1 =	ssub.s32 @!p0 $0x0, s1;
	[sflag:s0] =	ssyncset.done @!p0 $0x0  }
0x6e: {  	[sflag:s0] =	ssyncadd.s32 @!p0 s1  }
0x6f: {  	[bflag:$0x3] =	sbarrier.arrive $0xFFFF  }
0x70: {  	_ =	shalt  }

// kernel: kernel.15.cloned.1.call-start
scs
__scs_entry_jumppad:
0x0: {  	(pc) =	sbr.rel $0x88, $3  }
0x1: {  	(tag) =	ssettag $0x0;
	lr =	simm.s32 $0x1  }
0x2: {  	[smem:$0x3F9B] =	sst lr;
	_ =	strace $0xD0000000  }
0x3: {  	_ = 	snop  }
0x4: {  	_ = 	snop  }
0x5: {  	_ = 	snop  }
0x6: {  	_ = 	snop  }
0x7: {  	_ = 	snop  }
__scs_overlays_trampoline_lowered:
0x8: {  	[smem:$0x3FAA] =	sst s0  }
0x9: {  	[smem:$0x3FAB] =	sst s1  }
0xa: {  	[smem:$0x3FAC] =	sst s2  }
0xb: {  	[smem:$0x3FAD] =	sst s3  }
0xc: {  	[smem:$0x3FAE] =	sst s4  }
0xd: {  	[smem:$0x3FAF] =	sst s5  }
0xe: {  	[smem:$0x3FB0] =	sst s6  }
0xf: {  	[smem:$0x3FB1] =	sst s7  }
0x10: {  	[smem:$0x3FB2] =	sst s8  }
0x11: {  	[smem:$0x3FB3] =	sst s9;
	s0 =	simm.s32 @!p0 $0x0  }
0x12: {  	s1 =	sld [smem:$0x3F99];
	s0 =	simm.s32 @p0 $0x1  }
0x13: {  	[smem:$0x3FB4] =	sst s0;
	s0 =	simm.s32 @!p1 $0x0  }
0x14: {  	s2 =	sld [smem:$0x3F98];
	s0 =	simm.s32 @p1 $0x1  }
0x15: {  	[smem:$0x3FB5] =	sst s0;
	s0 =	simm.s32 @!p2 $0x0  }
0x16: {  	s3 =	sld [smem:$0x3FDB];
	s0 =	simm.s32 @p2 $0x1  }
0x17: {  	s4 =	simm.s32 $0x1BF5;
	[smem:$0x3FB7] =	sst s0  }
0x18: {  	s0 =	sld [smem:$0x3F9A];
	_ =	swait.ge [sflag:s4], $0x0  }
0x19: {  	s7 =	sld [smem:$0x3F9B]  }
0x1a: {  	s8 =	sadd.s32 $0xFFFFE003, lr  }
0x1b: {  	s9 =	sadd.s32 $0xFFFFFEF7, lr;
	s5 =	simm.s32 $0xFFFFFFFF;
	p2 =	slt.u32 s8, $0xFFFFF086  }
0x1c: {  	p1 =	slt.u32 s9, $0xF7A;
	s5 =	simm.s32 @!p2 $0x0  }
0x1d: {  	s5 =	simm.s32 @p1 $0x1;
	p0 =	seq.s32 s7, s2  }
0x1e: {  	s7 =	smul.u32 @!p0 $0xF7A, s2;
	p2 =	seq.s32 @!p0 s5, $0x0  }
0x1f: {  	s9 =	smul.u32 $0xF7A, s1;
	s8 =	simm.s32 @!p0 $0x1BF5;
	p2 =	por !p2, p0  }
0x20: {  	[sflag:s8] =	ssyncset.s32 @!p0 $0xFFFFF086;
	s6 =	sadd.s32 @!p0 s3, s7;
	s7 =	simm.s32 @!p0 $0x108  }
0x21: {  	s3 =	sadd.s32 s3, s9;
	s6 =	sadd.s32 @!p0 $0x88, s6;
	s7 =	simm.s32 @p2 $0x1082  }
0x22: {  	[simem:s7], [sflag:s8] =	dma.local @!p0 [hbm:s6], $0xF7A  }
0x23: {  	s9 =	sor.u32 $0xD0000000, s2;
	s6 =	simm.s32 $0x108;
	_ =	swait.ge @!p0 [sflag:s8], $0x0  }
0x24: {  	s3 =	sadd.s32 $0x88, s3;
	s6 =	simm.s32 @!p1 $0x1082;
	[sflag:s4] =	ssyncset.s32 $0xFFFFF086  }
0x25: {  	[simem:s6], [sflag:s4] =	dma.local [hbm:s3], $0xF7A  }
0x26: {  	[smem:$0x3F9B] =	sst s1;
	(tag) =	ssettag s2;
	_ =	strace s9  }
0x27: {  	s1 =	sld [smem:$0x3FAB]  }
0x28: {  	s2 =	sld [smem:$0x3FAC]  }
0x29: {  	s4 =	sld [smem:$0x3FAE]  }
0x2a: {  	p0 =	seq.s32 s5, $0x0;
	s5 =	sld [smem:$0x3FAF]  }
0x2b: {  	s6 =	sld [smem:$0x3FB0]  }
0x2c: {  	s7 =	sld [smem:$0x3FB1]  }
0x2d: {  	s3 =	simm.s32 $0x108;
	s8 =	sld [smem:$0x3FB2]  }
0x2e: {  	s3 =	simm.s32 @!p0 $0x1082;
	s9 =	sld [smem:$0x3FB3]  }
0x2f: {  	lr =	sadd.s32 s0, s3;
	s0 =	sld [smem:$0x3FAA]  }
0x30: {  	s3 =	sld [smem:$0x3FAD]  }
0x31: {  	[smem:$0x3FB6] =	sst s10  }
0x32: {  	s10 =	sld [smem:$0x3FB4];
	_ =	sdelay $0x3  }
0x33: {  	p0 =	seq.s32 s10, $0x1;
	s10 =	sld [smem:$0x3FB6];
	_ =	sdelay $0x3  }
0x34: {  	[smem:$0x3FB6] =	sst s10  }
0x35: {  	s10 =	sld [smem:$0x3FB5];
	_ =	sdelay $0x3  }
0x36: {  	p1 =	seq.s32 s10, $0x1;
	s10 =	sld [smem:$0x3FB6];
	_ =	sdelay $0x3  }
0x37: {  	[smem:$0x3FB6] =	sst s10  }
0x38: {  	s10 =	sld [smem:$0x3FB7]  }
0x39: {  	_ = 	snop;
	(pc) =	sbr.ind lr, $3  }
0x3a: {  	_ = 	snop  }
0x3b: {  	_ = 	snop  }
0x3c: {  	p2 =	seq.s32 s10, $0x1;
	s10 =	sld [smem:$0x3FB6]  }
0x3d: {  	_ =	shalt  }
0x3e: {  	_ =	shalt  }
0x3f: {  	_ =	shalt  }
0x40: {  	_ =	shalt  }
0x41: {  	_ =	shalt  }
0x42: {  	_ =	shalt  }
0x43: {  	_ =	shalt  }
0x44: {  	_ =	shalt  }
0x45: {  	_ =	shalt  }
0x46: {  	_ =	shalt  }
0x47: {  	_ =	shalt  }
0x48: {  	_ =	shalt  }
0x49: {  	_ =	shalt  }
0x4a: {  	_ =	shalt  }
0x4b: {  	_ =	shalt  }
0x4c: {  	_ =	shalt  }
0x4d: {  	_ =	shalt  }
0x4e: {  	_ =	shalt  }
0x4f: {  	_ =	shalt  }
0x50: {  	_ =	shalt  }
0x51: {  	_ =	shalt  }
0x52: {  	_ =	shalt  }
0x53: {  	_ =	shalt  }
0x54: {  	_ =	shalt  }
0x55: {  	_ =	shalt  }
0x56: {  	_ =	shalt  }
0x57: {  	_ =	shalt  }
0x58: {  	_ =	shalt  }
0x59: {  	_ =	shalt  }
0x5a: {  	_ =	shalt  }
0x5b: {  	_ =	shalt  }
0x5c: {  	_ =	shalt  }
0x5d: {  	_ =	shalt  }
0x5e: {  	_ =	shalt  }
0x5f: {  	_ =	shalt  }
0x60: {  	_ =	shalt  }
0x61: {  	_ =	shalt  }
0x62: {  	_ =	shalt  }
0x63: {  	_ =	shalt  }
0x64: {  	_ =	shalt  }
0x65: {  	_ =	shalt  }
0x66: {  	_ =	shalt  }
0x67: {  	_ =	shalt  }
0x68: {  	_ =	shalt  }
0x69: {  	_ =	shalt  }
0x6a: {  	_ =	shalt  }
0x6b: {  	_ =	shalt  }
0x6c: {  	_ =	shalt  }
0x6d: {  	_ =	shalt  }
0x6e: {  	_ =	shalt  }
0x6f: {  	_ =	shalt  }
0x70: {  	_ =	shalt  }
0x71: {  	_ =	shalt  }
0x72: {  	_ =	shalt  }
0x73: {  	_ =	shalt  }
0x74: {  	_ =	shalt  }
0x75: {  	_ =	shalt  }
0x76: {  	_ =	shalt  }
0x77: {  	_ =	shalt  }
0x78: {  	_ =	shalt  }
0x79: {  	_ =	shalt  }
0x7a: {  	_ =	shalt  }
0x7b: {  	_ =	shalt  }
0x7c: {  	_ =	shalt  }
0x7d: {  	_ =	shalt  }
0x7e: {  	_ =	shalt  }
0x7f: {  	_ =	shalt  }
0x80: {  	_ =	shalt  }
0x81: {  	_ =	shalt  }
0x82: {  	_ =	shalt  }
0x83: {  	_ =	shalt  }
0x84: {  	_ =	shalt  }
0x85: {  	_ =	shalt  }
0x86: {  	_ =	shalt  }
0x87: {  	_ =	shalt  }
.Lfunc_end0:
.L_simem_size_0:
called_computation.2_lowered:
.L_overlay_start_0:
0x88: {  	s2 =	sld [smem:$0x3FD9]  }
0x89: {  	s3 =	sld [smem:$0x3FFE];
	_ =	sdelay $0x1  }
0x8a: {  	s1 =	srdreg.scid  }
0x8b: {  	s0 =	sand.u32 $0x1, s1  }
0x8c: {  	s17 =	sshll.u32 s0, $0xA;
	s2 =	sadd.s32 s3, s2  }
0x8d: {  	s2 =	sadd.s32 s2, s17  }
0x8e: {  	[smem:$0x3FC2] =	sst s2  }
0x8f: {  	_ = 	snop  }
0x90: {  	s2 =	sld [smem:$0x3FD0];
	(tm) =	ssettm $0x1  }
0x91: {  	s18 =	sld [smem:$0x3FFB];
	_ =	sdelay $0x3  }
0x92: {  	_ =	strace s18  }
0x93: {  	s3 =	sld [smem:$0x3FFC];
	_ =	sdelay $0x3  }
0x94: {  	_ =	strace s3  }
0x95: {  	s3 =	sld [smem:$0x3FFD];
	_ =	sdelay $0x3  }
0x96: {  	_ =	strace s3  }
0x97: {  	_ =	strace $0x8FFFFFFF  }
0x98: {  	s19 =	sld [smem:$0x3FDB];
	_ =	sdelay $0x1  }
0x99: {  	s4 =	simm.s32 $_scs_section_size  }
0x9a: {  	s5 =	simm.s32 $_size__tile_overlayer_lowered;
	s6 =	simm.s32 $_tile_overlayer_lowered  }
0x9b: {  	s22 =	simm.s32 $0x1BFF;
	s21 =	sshll.u32 s6, $0x1;
	s3 =	sadd.s32 s4, s19  }
0x9c: {  	s7 =	simm.s32 $0x0;
	s20 =	sshll.u32 s5, $0x1;
	s5 =	sadd.s32 s21, s3  }
0x9d: {  	[timem:s7], [sflag:s22] =	dma.local [hbm:s5], s20  }
0x9e: {  	_ =	swait.ge [sflag:s22], s20  }
0x9f: {  	s4 =	ssub.s32 $0x0, s20;
	[sflag:s22] =	ssyncset.done $0x0  }
0xa0: {  	[sflag:s22] =	ssyncadd.s32 s4;
	_ =	sdelay $0x1  }
0xa1: {  	s23 =	simm.s32 $0x1B8B  }
0xa2: {  	_ =	swait.ge [sflag:s23], $0x1  }
0xa3: {  	[sflag:s23] =	ssyncset.done $0x0  }
0xa4: {  	s25 =	simm.s32 $0x1B8E;
	s24 =	sld [smem:$0x3FFE];
	[sflag:s23] =	ssyncadd.s32 $0xFFFFFFFF  }
0xa5: {  	s26 =	simm.s32 $execute0_lowered;
	[smem:$0x3FD2] =	sst s25  }
0xa6: {  	s5 =	sshll.u32 s26, $0x1;
	_ =	strace $0x8000004C;
	[dreg:$0x1] =	wrdreg $0xFFFFFFFF  }
0xa7: {  	s28 =	simm.s32 $_size_execute0_lowered;
	s3 =	sadd.s32 s3, s5;
	[dreg:$0x0] =	wrdreg $0x0  }
0xa8: {  	s5 =	sshll.u32 s28, $0x1;
	[dreg:$0x2] =	wrdreg s3  }
0xa9: {  	[dreg:$0x3] =	wrdreg s5  }
0xaa: {  	[dreg:$0x4] =	wrdreg $0xC0  }
0xab: {  	_ =	task [dreg:s7], $0x5FFFF  }
0xac: {  	[dreg:$0x1] =	wrdreg $0xFFFFFFFF  }
0xad: {  	[dreg:$0x0] =	wrdreg $0x60  }
0xae: {  	[dreg:$0x2] =	wrdreg s24  }
0xaf: {  	[dreg:$0x3] =	wrdreg s2  }
0xb0: {  	[dreg:$0x4] =	wrdreg $0x90000  }
0xb1: {  	[dreg:$0x5] =	wrdreg $0x9  }
0xb2: {  	_ =	task.clear_ibuf [dreg:s7], $0x6FFFF;
	_ =	strace $0x9000004C  }
0xb3: {  	s29 =	simm.s32 $0x9;
	_ =	strace $0x8000004E  }
0xb4: {  	_ =	swait.ge [sflag:s29], $0x1  }
0xb5: {  	[sflag:s29] =	ssyncadd.s32 $0xFFFFFFFF  }
0xb6: {  	_ =	strace $0x9000004E  }
0xb7: {  	_ =	sfence  }
0xb8: {  	s30 =	sld [smem:$0x0];
	_ =	sdelay $0x2  }
0xb9: {  	s31 =	sshll.u32 s1, $0xD;
	s1 =	sshrl.u32 s1, $0x2  }
0xba: {  	s3 =	sand.u32 $0x4000, s31;
	s1 =	sadd.s32 s1, s30  }
0xbb: {  	s0 =	sor.u32 s3, s0;
	s1 =	sshll.u32 s1, $0x11  }
0xbc: {  	s0 =	sor.u32 s1, s0  }
0xbd: {  	s0 =	sadd.s32 $0x8F2B, s0  }
0xbe: {  	[sflag:s0] =	ssyncadd.remote.s32 $0x1  }
0xbf: {  	_ =	sfence.sel $0xFFFF  }
0xc0: {  	[dreg:$0x0] =	wrdreg $0xFFFFFFFF;
	(pc) =	sbr.abs _section_cstart, $3  }
0xc1: {  	[dreg:$0x1] =	wrdreg $0xFFFFFFFF  }
0xc2: {  	_ =	task.clear_ibuf [dreg:s7], $0x2FFFF;
	_ =	strace $0x9FFFFFFF  }
0xc3: {  	(tm) =	ssettm $0x7FFFFFFF  }
tec
execute0_lowered:
.L_overlay_start_1:
0x0: {  	(tag) =	ssettag $0x1  }
0x1: {  	s4 =	rddreg [dreg:$0x0]  }
0x2: {  	s5 =	rddreg [dreg:$0x1]  }
0x3: {  	s0 =	stileid.u32;
	s1 =	srdreg.scid  }
0x4: {  	s2 =	rddreg [dreg:$0x2];
	s3 =	simm.s32 $0x0;
	s13 =	simm.s32 $0x80  }
0x5: {  	s14 =	simm.s32 $0x5000;
	s15 =	simm.s32 $0x1;
	s6 =	smul.u32 $0x500, s0  }
0x6: {  	s7 =	sand.u32 $0x1, s1;
	s1 =	rddreg [dreg:$0x3];
	s9 =	smul.u32 $0x50000, s0  }
0x7: {  	[smem:$0x7FF] =	sst s3;
	s16 =	smul.u32 $0x2800, s0;
	s31 =	sshll.u32 s0, $0x6  }
0x8: {  	s8 =	smul.u32 $0x28000, s7;
	s7 =	ssub.s32 $0x2, s7;
	_ =	strace $0x8000004D  }
0x9: {  	s10 =	sadd.s32 s6, s4;
	s11 =	sshrl.u32 s7, $0x1;
	s9 =	sshrl.u32 s9, $0x2  }
0xa: {  	s5 =	sadd.s32 s5, s6;
	s8 =	sadd.s32 s8, s4;
	s7 =	ssub.s32 s7, s11  }
0xb: {  	s4 =	sadd.s32 $0x51E00, s10;
	s12 =	sadd.s32 s9, s2;
	s9 =	simm.s32 $0x2800  }
0xc: {  	s11 =	sor.u32 $0x1C02, s31;
	s6 =	sadd.s32 $0x1E00, s8;
	s17 =	sadd.s32 $0x56E00, s8  }
0xd: {  	s7 =	smax.u32 s7, $0x1;
	s8 =	simm.s32 $0x2;
	s12 =	sshrl.u32 s12, $0x3  }
0xe: {  	s10 =	sadd.s32 s16, s6;
	s16 =	sadd.s32 s16, s17;
	s17 =	simm.s32 $0x0  }
.LBB2_1:
0xf: {  	[tilespmem:s3], [sflag:$0x2] =	stream.linear.gather [hbm4b:s4+s3], $0x2800, $0x38;
	[tilespmem:$0x1D000] =	vst v63  }
0x10: {  	_ =	swait.ge [sflag:s8], $0x2800  }
0x11: {  	[sflag:s8] =	ssyncset.done $0x0  }
0x12: {  	[sflag:s8] =	ssyncadd.s32 $0xFFFFD800  }
0x13: {  	[tilespmem:s9], [sflag:$0x2] =	stream.linear.gather [hbm4b:s5+s3], $0x2800, $0x38;
	[tilespmem:$0x1D000] =	vst v63  }
0x14: {  	_ =	swait.ge [sflag:s8], $0x2800  }
0x15: {  	[sflag:s8] =	ssyncset.done $0x0  }
0x16: {  	[sflag:s8] =	ssyncadd.s32 $0xFFFFD800  }
0x17: {  	[spmem:s12], [sflag:s11] =	dma.local [hbm:s10], $0x2800  }
0x18: {  	_ =	swait.ge [sflag:s8], $0x2800  }
0x19: {  	[sflag:s8] =	ssyncset.done $0x0  }
0x1a: {  	[sflag:s8] =	ssyncadd.s32 $0xFFFFD800  }
0x1b: {  	s18 =	simm.s32 $0x0;
	[bflag:$0x0] =	sbarrier.arrive $0xFFFF  }
0x1c: {  	[tilespmem:s14], [sflag:$0x1] =	stream.indirect.gather [hbm4b:s6+s13], $0x80, s18, s13, $0xb8;
	[tilespmem:$0x1D000] =	vst v63  }
0x1d: {  	_ =	swait.ge [sflag:s15], $0x4000  }
0x1e: {  	[sflag:s15] =	ssyncset.done $0x0  }
0x1f: {  	s31 =	simm.s32 $0x2800;
	[sflag:s15] =	ssyncadd.s32 $0xFFFFC000  }
0x20: {  	[spmem:s2] =	stream.indirect.scatter.add.f32 [tilespmem:s14], [sflag:$0x2], $0x80, s31, s13, $0xb8;
	[tilespmem:$0x1D000] =	vst v63  }
0x21: {  	_ =	swait.ge [sflag:s8], $0x4000  }
0x22: {  	s19 =	simm.s32 $0x400;
	s18 =	simm.s32 $0x200;
	[sflag:s8] =	ssyncset.done $0x0  }
.LBB2_2:
0x23: {  	s20 =	sshra.s32 s18, $0x2  }
0x24: {  	[sflag:s8] =	ssyncadd.s32 $0xFFFFC000;
	s18 =	smov.u32 s19;
	s21 =	sadd.s32 $0x200, s19  }
0x25: {  	[tilespmem:s14], [sflag:$0x1] =	stream.indirect.gather [hbm4b:s6+s13], $0x80, s20, s13, $0xb8;
	[tilespmem:$0x1D000] =	vst v63  }
0x26: {  	p0 =	sne.s32 s19, $0x9E00;
	_ =	swait.ge [sflag:s15], $0x4000  }
.Ltmp0:
0x27: {  	[sflag:s15] =	ssyncset.done $0x0;
	(pc) =	sbr.rel @p0 .LBB2_2-.Ltmp0, $4  }
0x28: {  	s19 =	sadd.s32 $0x2800, s20;
	[sflag:s15] =	ssyncadd.s32 $0xFFFFC000  }
0x29: {  	[spmem:s2] =	stream.indirect.scatter.add.f32 [tilespmem:s14], [sflag:$0x2], $0x80, s19, s13, $0xb8;
	[tilespmem:$0x1D000] =	vst v63  }
0x2a: {  	_ =	swait.ge [sflag:s8], $0x4000  }
0x2b: {  	s19 =	smov.u32 s21;
	[sflag:s8] =	ssyncset.done $0x0  }
0x2c: {  	s18 =	sshra.s32 s18, $0x2;
	[sflag:s8] =	ssyncadd.s32 $0xFFFFC000  }
0x2d: {  	[tilespmem:s14], [sflag:$0x1] =	stream.indirect.gather [hbm4b:s6+s13], $0x80, s18, s13, $0xb8;
	[tilespmem:$0x1D000] =	vst v63  }
0x2e: {  	_ =	swait.ge [sflag:s15], $0x4000  }
0x2f: {  	[sflag:s15] =	ssyncset.done $0x0  }
0x30: {  	s18 =	sadd.s32 $0x2800, s18;
	[sflag:s15] =	ssyncadd.s32 $0xFFFFC000  }
0x31: {  	[spmem:s2] =	stream.indirect.scatter.add.f32 [tilespmem:s14], [sflag:$0x2], $0x80, s18, s13, $0xb8;
	[tilespmem:$0x1D000] =	vst v63  }
0x32: {  	_ =	swait.ge [sflag:s8], $0x4000  }
0x33: {  	s17 =	sadd.s32 $0x1, s17;
	[sflag:s8] =	ssyncset.done $0x0  }
0x34: {  	p0 =	sne.s32 s17, s7;
	[sflag:s8] =	ssyncadd.s32 $0xFFFFC000  }
.Ltmp1:
0x35: {  	[bflag:$0x0] =	sbarrier.arrive $0xFFFF;
	(pc) =	sbr.rel @p0 .LBB2_1-.Ltmp1, $4  }
0x36: {  	[hbm:s16], [sflag:s11] =	dma.local [spmem:s12], $0x2800  }
0x37: {  	_ =	swait.ge [sflag:s8], $0x2800  }
0x38: {  	[sflag:s8] =	ssyncset.done $0x0  }
0x39: {  	[sflag:s8] =	ssyncadd.s32 $0xFFFFD800  }
0x3a: {  	_ =	sfence.sel $0x180000  }
0x3b: {  	[bflag:$0x0] =	sbarrier.arrive $0xFFFF  }
0x3c: {  	p0 =	sne.s32 s0, $0x0;
	_ =	strace $0x9000004D  }
0x3d: {  	s0 =	sadd.s32 @!p0 $0x100000, s1;
	[bflag:$0x2] =	sbarrier.arrive $0xFFFF  }
0x3e: {  	[sflag:s0] =	ssyncadd.tile.s32 @!p0 $0x1;
	_ =	shalt  }
.Lfunc_end2:
_tile_overlayer_lowered:
.L_overlay_start_2:
0x3f: {  	(tag) =	ssettag $0x2  }
0x40: {  	s0 =	rddreg [dreg:$0x0];
	s2 =	stileid.u32  }
0x41: {  	s1 =	rddreg [dreg:$0x1];
	p0 =	sne.s32 s2, $0x0  }
0x42: {  	s3 =	rddreg [dreg:$0x2];
	[bflag:$0x3] =	sbarrier.arrive $0xFFFF;
	s2 =	simm.s32 @!p0 $0x1C02  }
0x43: {  	[timem:s3], [sflag:s2] =	dma.local @!p0 [hbm:s0], s1  }
0x44: {  	s0 =	simm.s32 @!p0 $0x2  }
0x45: {  	_ =	swait.ge @!p0 [sflag:s0], s1  }
0x46: {  	s1 =	ssub.s32 @!p0 $0x0, s1;
	[sflag:s0] =	ssyncset.done @!p0 $0x0  }
0x47: {  	[sflag:s0] =	ssyncadd.s32 @!p0 s1  }
0x48: {  	[bflag:$0x3] =	sbarrier.arrive $0xFFFF  }
0x49: {  	_ =	shalt  }

// kernel: kernel.9.cloned.1.call-start
scs
__scs_entry_jumppad:
0x0: {  	(pc) =	sbr.rel $0x88, $3  }
0x1: {  	(tag) =	ssettag $0x0;
	lr =	simm.s32 $0x1  }
0x2: {  	[smem:$0x3F9B] =	sst lr;
	_ =	strace $0xD0000000  }
0x3: {  	_ = 	snop  }
0x4: {  	_ = 	snop  }
0x5: {  	_ = 	snop  }
0x6: {  	_ = 	snop  }
0x7: {  	_ = 	snop  }
__scs_overlays_trampoline_lowered:
0x8: {  	[smem:$0x3FAA] =	sst s0  }
0x9: {  	[smem:$0x3FAB] =	sst s1  }
0xa: {  	[smem:$0x3FAC] =	sst s2  }
0xb: {  	[smem:$0x3FAD] =	sst s3  }
0xc: {  	[smem:$0x3FAE] =	sst s4  }
0xd: {  	[smem:$0x3FAF] =	sst s5  }
0xe: {  	[smem:$0x3FB0] =	sst s6  }
0xf: {  	[smem:$0x3FB1] =	sst s7  }
0x10: {  	[smem:$0x3FB2] =	sst s8  }
0x11: {  	[smem:$0x3FB3] =	sst s9;
	s0 =	simm.s32 @!p0 $0x0  }
0x12: {  	s1 =	sld [smem:$0x3F99];
	s0 =	simm.s32 @p0 $0x1  }
0x13: {  	[smem:$0x3FB4] =	sst s0;
	s0 =	simm.s32 @!p1 $0x0  }
0x14: {  	s2 =	sld [smem:$0x3F98];
	s0 =	simm.s32 @p1 $0x1  }
0x15: {  	[smem:$0x3FB5] =	sst s0;
	s0 =	simm.s32 @!p2 $0x0  }
0x16: {  	s3 =	sld [smem:$0x3FDB];
	s0 =	simm.s32 @p2 $0x1  }
0x17: {  	s4 =	simm.s32 $0x1BF5;
	[smem:$0x3FB7] =	sst s0  }
0x18: {  	s0 =	sld [smem:$0x3F9A];
	_ =	swait.ge [sflag:s4], $0x0  }
0x19: {  	s7 =	sld [smem:$0x3F9B]  }
0x1a: {  	s8 =	sadd.s32 $0xFFFFE003, lr  }
0x1b: {  	s9 =	sadd.s32 $0xFFFFFEF7, lr;
	s5 =	simm.s32 $0xFFFFFFFF;
	p2 =	slt.u32 s8, $0xFFFFF086  }
0x1c: {  	p1 =	slt.u32 s9, $0xF7A;
	s5 =	simm.s32 @!p2 $0x0  }
0x1d: {  	s5 =	simm.s32 @p1 $0x1;
	p0 =	seq.s32 s7, s2  }
0x1e: {  	s7 =	smul.u32 @!p0 $0xF7A, s2;
	p2 =	seq.s32 @!p0 s5, $0x0  }
0x1f: {  	s9 =	smul.u32 $0xF7A, s1;
	s8 =	simm.s32 @!p0 $0x1BF5;
	p2 =	por !p2, p0  }
0x20: {  	[sflag:s8] =	ssyncset.s32 @!p0 $0xFFFFF086;
	s6 =	sadd.s32 @!p0 s3, s7;
	s7 =	simm.s32 @!p0 $0x108  }
0x21: {  	s3 =	sadd.s32 s3, s9;
	s6 =	sadd.s32 @!p0 $0x88, s6;
	s7 =	simm.s32 @p2 $0x1082  }
0x22: {  	[simem:s7], [sflag:s8] =	dma.local @!p0 [hbm:s6], $0xF7A  }
0x23: {  	s9 =	sor.u32 $0xD0000000, s2;
	s6 =	simm.s32 $0x108;
	_ =	swait.ge @!p0 [sflag:s8], $0x0  }
0x24: {  	s3 =	sadd.s32 $0x88, s3;
	s6 =	simm.s32 @!p1 $0x1082;
	[sflag:s4] =	ssyncset.s32 $0xFFFFF086  }
0x25: {  	[simem:s6], [sflag:s4] =	dma.local [hbm:s3], $0xF7A  }
0x26: {  	[smem:$0x3F9B] =	sst s1;
	(tag) =	ssettag s2;
	_ =	strace s9  }
0x27: {  	s1 =	sld [smem:$0x3FAB]  }
0x28: {  	s2 =	sld [smem:$0x3FAC]  }
0x29: {  	s4 =	sld [smem:$0x3FAE]  }
0x2a: {  	p0 =	seq.s32 s5, $0x0;
	s5 =	sld [smem:$0x3FAF]  }
0x2b: {  	s6 =	sld [smem:$0x3FB0]  }
0x2c: {  	s7 =	sld [smem:$0x3FB1]  }
0x2d: {  	s3 =	simm.s32 $0x108;
	s8 =	sld [smem:$0x3FB2]  }
0x2e: {  	s3 =	simm.s32 @!p0 $0x1082;
	s9 =	sld [smem:$0x3FB3]  }
0x2f: {  	lr =	sadd.s32 s0, s3;
	s0 =	sld [smem:$0x3FAA]  }
0x30: {  	s3 =	sld [smem:$0x3FAD]  }
0x31: {  	[smem:$0x3FB6] =	sst s10  }
0x32: {  	s10 =	sld [smem:$0x3FB4];
	_ =	sdelay $0x3  }
0x33: {  	p0 =	seq.s32 s10, $0x1;
	s10 =	sld [smem:$0x3FB6];
	_ =	sdelay $0x3  }
0x34: {  	[smem:$0x3FB6] =	sst s10  }
0x35: {  	s10 =	sld [smem:$0x3FB5];
	_ =	sdelay $0x3  }
0x36: {  	p1 =	seq.s32 s10, $0x1;
	s10 =	sld [smem:$0x3FB6];
	_ =	sdelay $0x3  }
0x37: {  	[smem:$0x3FB6] =	sst s10  }
0x38: {  	s10 =	sld [smem:$0x3FB7]  }
0x39: {  	_ = 	snop;
	(pc) =	sbr.ind lr, $3  }
0x3a: {  	_ = 	snop  }
0x3b: {  	_ = 	snop  }
0x3c: {  	p2 =	seq.s32 s10, $0x1;
	s10 =	sld [smem:$0x3FB6]  }
0x3d: {  	_ =	shalt  }
0x3e: {  	_ =	shalt  }
0x3f: {  	_ =	shalt  }
0x40: {  	_ =	shalt  }
0x41: {  	_ =	shalt  }
0x42: {  	_ =	shalt  }
0x43: {  	_ =	shalt  }
0x44: {  	_ =	shalt  }
0x45: {  	_ =	shalt  }
0x46: {  	_ =	shalt  }
0x47: {  	_ =	shalt  }
0x48: {  	_ =	shalt  }
0x49: {  	_ =	shalt  }
0x4a: {  	_ =	shalt  }
0x4b: {  	_ =	shalt  }
0x4c: {  	_ =	shalt  }
0x4d: {  	_ =	shalt  }
0x4e: {  	_ =	shalt  }
0x4f: {  	_ =	shalt  }
0x50: {  	_ =	shalt  }
0x51: {  	_ =	shalt  }
0x52: {  	_ =	shalt  }
0x53: {  	_ =	shalt  }
0x54: {  	_ =	shalt  }
0x55: {  	_ =	shalt  }
0x56: {  	_ =	shalt  }
0x57: {  	_ =	shalt  }
0x58: {  	_ =	shalt  }
0x59: {  	_ =	shalt  }
0x5a: {  	_ =	shalt  }
0x5b: {  	_ =	shalt  }
0x5c: {  	_ =	shalt  }
0x5d: {  	_ =	shalt  }
0x5e: {  	_ =	shalt  }
0x5f: {  	_ =	shalt  }
0x60: {  	_ =	shalt  }
0x61: {  	_ =	shalt  }
0x62: {  	_ =	shalt  }
0x63: {  	_ =	shalt  }
0x64: {  	_ =	shalt  }
0x65: {  	_ =	shalt  }
0x66: {  	_ =	shalt  }
0x67: {  	_ =	shalt  }
0x68: {  	_ =	shalt  }
0x69: {  	_ =	shalt  }
0x6a: {  	_ =	shalt  }
0x6b: {  	_ =	shalt  }
0x6c: {  	_ =	shalt  }
0x6d: {  	_ =	shalt  }
0x6e: {  	_ =	shalt  }
0x6f: {  	_ =	shalt  }
0x70: {  	_ =	shalt  }
0x71: {  	_ =	shalt  }
0x72: {  	_ =	shalt  }
0x73: {  	_ =	shalt  }
0x74: {  	_ =	shalt  }
0x75: {  	_ =	shalt  }
0x76: {  	_ =	shalt  }
0x77: {  	_ =	shalt  }
0x78: {  	_ =	shalt  }
0x79: {  	_ =	shalt  }
0x7a: {  	_ =	shalt  }
0x7b: {  	_ =	shalt  }
0x7c: {  	_ =	shalt  }
0x7d: {  	_ =	shalt  }
0x7e: {  	_ =	shalt  }
0x7f: {  	_ =	shalt  }
0x80: {  	_ =	shalt  }
0x81: {  	_ =	shalt  }
0x82: {  	_ =	shalt  }
0x83: {  	_ =	shalt  }
0x84: {  	_ =	shalt  }
0x85: {  	_ =	shalt  }
0x86: {  	_ =	shalt  }
0x87: {  	_ =	shalt  }
.Lfunc_end0:
.L_simem_size_0:
called_computation_lowered:
.L_overlay_start_0:
0x88: {  	s2 =	sld [smem:$0x3FD9]  }
0x89: {  	s3 =	sld [smem:$0x3FFE];
	_ =	sdelay $0x1  }
0x8a: {  	s1 =	srdreg.scid  }
0x8b: {  	s0 =	sand.u32 $0x1, s1  }
0x8c: {  	s17 =	sshll.u32 s0, $0xA;
	s2 =	sadd.s32 s3, s2  }
0x8d: {  	s2 =	sadd.s32 s2, s17  }
0x8e: {  	[smem:$0x3FC2] =	sst s2  }
0x8f: {  	_ = 	snop  }
0x90: {  	s2 =	sld [smem:$0x3FD0];
	(tm) =	ssettm $0x1  }
0x91: {  	s18 =	sld [smem:$0x3FFB];
	_ =	sdelay $0x3  }
0x92: {  	_ =	strace s18  }
0x93: {  	s3 =	sld [smem:$0x3FFC];
	_ =	sdelay $0x3  }
0x94: {  	_ =	strace s3  }
0x95: {  	s3 =	sld [smem:$0x3FFD];
	_ =	sdelay $0x3  }
0x96: {  	_ =	strace s3  }
0x97: {  	_ =	strace $0x8FFFFFFF  }
0x98: {  	s19 =	sld [smem:$0x3FDB];
	_ =	sdelay $0x1  }
0x99: {  	s4 =	simm.s32 $_scs_section_size  }
0x9a: {  	s5 =	simm.s32 $_size__tile_overlayer_lowered;
	s6 =	simm.s32 $_tile_overlayer_lowered  }
0x9b: {  	s22 =	simm.s32 $0x1BFF;
	s21 =	sshll.u32 s6, $0x1;
	s3 =	sadd.s32 s4, s19  }
0x9c: {  	s7 =	simm.s32 $0x0;
	s20 =	sshll.u32 s5, $0x1;
	s5 =	sadd.s32 s21, s3  }
0x9d: {  	[timem:s7], [sflag:s22] =	dma.local [hbm:s5], s20  }
0x9e: {  	_ =	swait.ge [sflag:s22], s20  }
0x9f: {  	s4 =	ssub.s32 $0x0, s20;
	[sflag:s22] =	ssyncset.done $0x0  }
0xa0: {  	[sflag:s22] =	ssyncadd.s32 s4;
	_ =	sdelay $0x1  }
0xa1: {  	s23 =	simm.s32 $0x1B8B  }
0xa2: {  	_ =	swait.ge [sflag:s23], $0x1  }
0xa3: {  	[sflag:s23] =	ssyncset.done $0x0  }
0xa4: {  	s25 =	simm.s32 $0x1B8E;
	s24 =	sld [smem:$0x3FFE];
	[sflag:s23] =	ssyncadd.s32 $0xFFFFFFFF  }
0xa5: {  	s26 =	simm.s32 $execute0_lowered;
	[smem:$0x3FD2] =	sst s25  }
0xa6: {  	s5 =	sshll.u32 s26, $0x1;
	_ =	strace $0x80000046;
	[dreg:$0x1] =	wrdreg $0xFFFFFFFF  }
0xa7: {  	s28 =	simm.s32 $_size_execute0_lowered;
	s3 =	sadd.s32 s3, s5;
	[dreg:$0x0] =	wrdreg $0x0  }
0xa8: {  	s5 =	sshll.u32 s28, $0x1;
	[dreg:$0x2] =	wrdreg s3  }
0xa9: {  	[dreg:$0x3] =	wrdreg s5  }
0xaa: {  	[dreg:$0x4] =	wrdreg $0xC0  }
0xab: {  	_ =	task [dreg:s7], $0x5FFFF  }
0xac: {  	[dreg:$0x1] =	wrdreg $0xFFFFFFFF  }
0xad: {  	[dreg:$0x0] =	wrdreg $0x60  }
0xae: {  	[dreg:$0x2] =	wrdreg s2  }
0xaf: {  	[dreg:$0x3] =	wrdreg s24  }
0xb0: {  	[dreg:$0x4] =	wrdreg $0x94000  }
0xb1: {  	[dreg:$0x5] =	wrdreg $0x9  }
0xb2: {  	_ =	task.clear_ibuf [dreg:s7], $0x6FFFF;
	_ =	strace $0x90000046  }
0xb3: {  	s29 =	simm.s32 $0x9;
	_ =	strace $0x80000048  }
0xb4: {  	_ =	swait.ge [sflag:s29], $0x1  }
0xb5: {  	[sflag:s29] =	ssyncadd.s32 $0xFFFFFFFF  }
0xb6: {  	_ =	strace $0x90000048  }
0xb7: {  	_ =	sfence  }
0xb8: {  	s30 =	sld [smem:$0x0];
	_ =	sdelay $0x2  }
0xb9: {  	s31 =	sshll.u32 s1, $0xD;
	s1 =	sshrl.u32 s1, $0x2  }
0xba: {  	s3 =	sand.u32 $0x4000, s31;
	s1 =	sadd.s32 s1, s30  }
0xbb: {  	s0 =	sor.u32 s3, s0;
	s1 =	sshll.u32 s1, $0x11  }
0xbc: {  	s0 =	sor.u32 s1, s0  }
0xbd: {  	s0 =	sadd.s32 $0x8F2B, s0  }
0xbe: {  	[sflag:s0] =	ssyncadd.remote.s32 $0x1  }
0xbf: {  	_ =	sfence.sel $0xFFFF  }
0xc0: {  	[dreg:$0x0] =	wrdreg $0xFFFFFFFF;
	(pc) =	sbr.abs _section_cstart, $3  }
0xc1: {  	[dreg:$0x1] =	wrdreg $0xFFFFFFFF  }
0xc2: {  	_ =	task.clear_ibuf [dreg:s7], $0x2FFFF;
	_ =	strace $0x9FFFFFFF  }
0xc3: {  	(tm) =	ssettm $0x7FFFFFFF  }
tec
execute0_lowered:
.L_overlay_start_1:
0x0: {  	(tag) =	ssettag $0x1  }
0x1: {  	s9 =	rddreg [dreg:$0x0]  }
0x2: {  	s4 =	rddreg [dreg:$0x1];
	s2 =	srdreg.scid  }
0x3: {  	s1 =	rddreg [dreg:$0x2];
	s5 =	sand.u32 $0x1, s2  }
0x4: {  	s2 =	stileid.u32;
	s6 =	smul.u32 $0x28000, s5  }
0x5: {  	s0 =	rddreg [dreg:$0x3];
	s3 =	simm.s32 $0x0;
	s7 =	smul.u32 $0x50000, s2  }
0x6: {  	s13 =	simm.s32 $0x80;
	s14 =	simm.s32 $0x1400;
	s15 =	smul.u32 $0x2800, s2  }
0x7: {  	[smem:$0x7FF] =	sst s3;
	s8 =	ssub.s32 $0x2, s5;
	s10 =	smul.u32 $0x1400, s5  }
0x8: {  	_ =	strace $0x80000047;
	s17 =	sshll.u32 s2, $0x6;
	s30 =	sshrl.u32 s8, $0x1  }
0x9: {  	s7 =	sshrl.u32 s7, $0x2;
	s11 =	sadd.s32 s6, s4;
	s31 =	sadd.s32 s10, s15  }
0xa: {  	s12 =	ssub.s32 s8, s30;
	s4 =	sadd.s32 s7, s1;
	s10 =	sshrl.u32 s31, $0x3  }
0xb: {  	s16 =	sadd.s32 $0x1E00, s11;
	s11 =	simm.s32 $0x5400;
	s5 =	sadd.s32 $0x4000, s4  }
0xc: {  	s6 =	sadd.s32 $0x8000, s4;
	s7 =	sadd.s32 $0xC000, s4;
	s8 =	sadd.s32 $0x10000, s4  }
0xd: {  	vm0 =	vcmask $0x300;
	v0 =	vimm.f32 $0.0e+00;
	s9 =	sadd.s32 s9, s10;
	s10 =	smax.u32 s12, $0x1;
	s12 =	simm.s32 $0x1  }
0xe: {  	v1 =	vsel vm0, $0x3F800000, v0;
	s15 =	sadd.s32 s15, s16;
	s16 =	sor.u32 $0x1C01, s17;
	s17 =	sshrl.u32 s4, $0x3  }
.LBB2_1:
0xf: {  	s18 =	simm.s32 $0x200;
	s19 =	simm.s32 $0x0  }
.LBB2_2:
0x10: {  	p0 =	sne.s32 s18, $0xFE00;
	[tilespmem:s19+$0x1400] =	vst v1;
	s20 =	smov.u32 s18;
	s18 =	sadd.s32 $0x200, s18  }
.Ltmp0:
0x11: {  	[tilespmem:s19+$0x5400] =	vst v0;
	(pc) =	sbr.rel @p0 .LBB2_2-.Ltmp0, $2  }
0x12: {  	_ =	sdelay $0x2  }
0x13: {  	s19 =	sshra.s32 s20, $0x2  }
0x14: {  	[tilespmem:s19+$0x1400] =	vst v1  }
0x15: {  	[tilespmem:s19+$0x5400] =	vst v0  }
0x16: {  	[spmem:s4] =	stream.linear.scatter [tilespmem:s11], [sflag:$0x1], $0x4000, $0x38;
	[tilespmem:$0xBC00] =	vst v63  }
0x17: {  	_ =	swait.ge [sflag:s12], $0x4000  }
0x18: {  	[sflag:s12] =	ssyncset.done $0x0  }
0x19: {  	[sflag:s12] =	ssyncadd.s32 $0xFFFFC000  }
0x1a: {  	[spmem:s5] =	stream.linear.scatter [tilespmem:s11], [sflag:$0x1], $0x4000, $0x38;
	[tilespmem:$0xBC00] =	vst v63  }
0x1b: {  	_ =	swait.ge [sflag:s12], $0x4000  }
0x1c: {  	[sflag:s12] =	ssyncset.done $0x0  }
0x1d: {  	[sflag:s12] =	ssyncadd.s32 $0xFFFFC000  }
0x1e: {  	[spmem:s6] =	stream.linear.scatter [tilespmem:s11], [sflag:$0x1], $0x4000, $0x38;
	[tilespmem:$0xBC00] =	vst v63  }
0x1f: {  	_ =	swait.ge [sflag:s12], $0x4000  }
0x20: {  	[sflag:s12] =	ssyncset.done $0x0  }
0x21: {  	[sflag:s12] =	ssyncadd.s32 $0xFFFFC000  }
0x22: {  	[spmem:s7] =	stream.linear.scatter [tilespmem:s11], [sflag:$0x1], $0x4000, $0x38;
	[tilespmem:$0xBC00] =	vst v63  }
0x23: {  	_ =	swait.ge [sflag:s12], $0x4000  }
0x24: {  	[sflag:s12] =	ssyncset.done $0x0  }
0x25: {  	[sflag:s12] =	ssyncadd.s32 $0xFFFFC000  }
0x26: {  	[spmem:s8] =	stream.linear.scatter [tilespmem:s11], [sflag:$0x1], $0x4000, $0x38;
	[tilespmem:$0xBC00] =	vst v63  }
0x27: {  	_ =	swait.ge [sflag:s12], $0x4000  }
0x28: {  	[sflag:s12] =	ssyncset.done $0x0  }
0x29: {  	s18 =	simm.s32 $0x0;
	[sflag:s12] =	ssyncadd.s32 $0xFFFFC000  }
0x2a: {  	[tilespmem:s18], [sflag:$0x1] =	stream.linear.gather [hbm4b:s9+s18], $0x1400, $0x38;
	[tilespmem:$0xBC00] =	vst v63  }
0x2b: {  	_ =	swait.ge [sflag:s12], $0x1400  }
0x2c: {  	[sflag:s12] =	ssyncset.done $0x0  }
0x2d: {  	[sflag:s12] =	ssyncadd.s32 $0xFFFFEC00  }
0x2e: {  	s31 =	simm.s32 $0x0;
	[bflag:$0x0] =	sbarrier.arrive $0xFFFF  }
0x2f: {  	[spmem:s1] =	stream.indirect.scatter.add.f32 [tilespmem:s14], [sflag:$0x1], $0x10, s31, s13, $0xb8;
	[tilespmem:$0xBC00] =	vst v63  }
0x30: {  	_ =	swait.ge [sflag:s12], $0x800  }
0x31: {  	s18 =	simm.s32 $0x200;
	[sflag:s12] =	ssyncset.done $0x0  }
.LBB2_4:
0x32: {  	s19 =	sshra.s32 s18, $0x2;
	[sflag:s12] =	ssyncadd.s32 $0xFFFFF800;
	p0 =	sne.s32 s18, $0x4E00  }
0x33: {  	[spmem:s1] =	stream.indirect.scatter.add.f32 [tilespmem:s14], [sflag:$0x1], $0x10, s19, s13, $0xb8;
	[tilespmem:$0xBC00] =	vst v63  }
.Ltmp1:
0x34: {  	_ = 	snop;
	(pc) =	sbr.rel @p0 .LBB2_4-.Ltmp1, $4  }
0x35: {  	_ = 	snop  }
0x36: {  	s18 =	sadd.s32 $0x200, s18  }
0x37: {  	_ =	swait.ge [sflag:s12], $0x800  }
0x38: {  	[sflag:s12] =	ssyncset.done $0x0  }
0x39: {  	s3 =	sadd.s32 $0x1, s3  }
0x3a: {  	[sflag:s12] =	ssyncadd.s32 $0xFFFFF800;
	p0 =	sne.s32 s3, s10  }
.Ltmp2:
0x3b: {  	[bflag:$0x0] =	sbarrier.arrive $0xFFFF;
	(pc) =	sbr.rel @p0 .LBB2_1-.Ltmp2, $4  }
0x3c: {  	[hbm:s15], [sflag:s16] =	dma.local [spmem:s17], $0x2800  }
0x3d: {  	_ =	swait.ge [sflag:s12], $0x2800  }
0x3e: {  	[sflag:s12] =	ssyncset.done $0x0  }
0x3f: {  	[sflag:s12] =	ssyncadd.s32 $0xFFFFD800  }
0x40: {  	_ =	sfence.sel $0x180000  }
0x41: {  	[bflag:$0x0] =	sbarrier.arrive $0xFFFF  }
0x42: {  	p0 =	sne.s32 s2, $0x0;
	_ =	strace $0x90000047  }
0x43: {  	s0 =	sadd.s32 @!p0 $0x100000, s0;
	[bflag:$0x2] =	sbarrier.arrive $0xFFFF  }
0x44: {  	[sflag:s0] =	ssyncadd.tile.s32 @!p0 $0x1;
	_ =	shalt  }
.Lfunc_end2:
_tile_overlayer_lowered:
.L_overlay_start_2:
0x45: {  	(tag) =	ssettag $0x2  }
0x46: {  	s0 =	rddreg [dreg:$0x0];
	s2 =	stileid.u32  }
0x47: {  	s1 =	rddreg [dreg:$0x1];
	p0 =	sne.s32 s2, $0x0  }
0x48: {  	s3 =	rddreg [dreg:$0x2];
	[bflag:$0x3] =	sbarrier.arrive $0xFFFF;
	s2 =	simm.s32 @!p0 $0x1C01  }
0x49: {  	[timem:s3], [sflag:s2] =	dma.local @!p0 [hbm:s0], s1  }
0x4a: {  	s0 =	simm.s32 @!p0 $0x1  }
0x4b: {  	_ =	swait.ge @!p0 [sflag:s0], s1  }
0x4c: {  	s1 =	ssub.s32 @!p0 $0x0, s1;
	[sflag:s0] =	ssyncset.done @!p0 $0x0  }
0x4d: {  	[sflag:s0] =	ssyncadd.s32 @!p0 s1  }
0x4e: {  	[bflag:$0x3] =	sbarrier.arrive $0xFFFF  }
0x4f: {  	_ =	shalt  }

</sc_bundles>
